<compile_context>
chip_gen: v7x
topology: tpu7x:2x2x1
jax: 0.10.2.dev20260603
libtpu: 0.0.44.dev20260713+nightly
codegen_flags: <defaults>
</compile_context>

<pallas_src>
import functools

import jax
import jax.numpy as jnp
from jax import lax
from jax.experimental import pallas as pl
from jax.experimental.pallas import tpu as pltpu
from jax.experimental.pallas import tpu_sc as plsc

NUM_KNOTS = 20
X_MIN = -5.0
X_MAX = 5.0
_DX = (X_MAX - X_MIN) / (NUM_KNOTS - 1)

_NC = 2
_NS = 16
_NW = _NC * _NS
_L = 16

_BR = 2
_BC = 8192
_NBUF = 4
_UNROLL = 2


def _spline_body(x_hbm, values_hbm, out_hbm, vals_v, t3, t2, t1, t0,
                 *bufs_and_sems):
    bufs = bufs_and_sems[0:_NBUF]
    sis = bufs_and_sems[_NBUF:2 * _NBUF]
    sos = bufs_and_sems[2 * _NBUF:3 * _NBUF]

    wid = lax.axis_index("s") * _NC + lax.axis_index("c")
    n_rows, n_cols = x_hbm.shape
    cblocks = n_cols // _BC
    rblocks_per_w = n_rows // (_BR * _NW)
    nblk = rblocks_per_w * cblocks
    row_base = wid * rblocks_per_w * _BR

    pltpu.sync_copy(values_hbm, vals_v)
    for t in range(2):
        k = lax.iota(jnp.int32, _L) + (t * _L)
        kc = jnp.minimum(k, NUM_KNOTS - 1)
        km1 = jnp.clip(k - 1, 0, NUM_KNOTS - 1)
        kp1 = jnp.minimum(k + 1, NUM_KNOTS - 1)
        kp2 = jnp.minimum(k + 2, NUM_KNOTS - 1)
        v0 = plsc.load_gather(vals_v, [km1])
        v1 = plsc.load_gather(vals_v, [kc])
        v2 = plsc.load_gather(vals_v, [kp1])
        v3 = plsc.load_gather(vals_v, [kp2])
        t3[pl.ds(t * _L, _L)] = 0.5 * (-v0 + 3.0 * v1 - 3.0 * v2 + v3)
        t2[pl.ds(t * _L, _L)] = 0.5 * (2.0 * v0 - 5.0 * v1 + 4.0 * v2 - v3)
        t1[pl.ds(t * _L, _L)] = 0.5 * (v2 - v0)
        t0[pl.ds(t * _L, _L)] = v1

    inv_dx = jnp.float32(1.0 / _DX)

    def blk_slice(b):
        rb = b // cblocks
        cb = b - rb * cblocks
        return (pl.ds(row_base + rb * _BR, _BR), pl.ds(cb * _BC, _BC))

    def compute_block(xb):
        @plsc.parallel_loop(0, _BC // _L, 1, unroll=_UNROLL)
        def _vec_body(j):
            s = j * _L
            for r in range(_BR):
                xv = xb[r, pl.ds(s, _L)]
                xc = jnp.minimum(jnp.maximum(xv, jnp.float32(X_MIN)),
                                 jnp.float32(X_MAX))
                u = (xc - jnp.float32(X_MIN)) * inv_dx
                i = u.astype(jnp.int32)
                f = u - i.astype(jnp.float32)
                c3 = plsc.load_gather(t3, [i])
                c2 = plsc.load_gather(t2, [i])
                c1 = plsc.load_gather(t1, [i])
                c0 = plsc.load_gather(t0, [i])
                xb[r, pl.ds(s, _L)] = ((c3 * f + c2) * f + c1) * f + c0

    for b in range(2):
        rs, cs = blk_slice(b)
        pltpu.async_copy(x_hbm.at[rs, cs], bufs[b], sis[b])

    def ring_body(g, _):
        for b in range(_NBUF):
            c = g * _NBUF + b
            rs, cs = blk_slice(c)
            pltpu.make_async_copy(x_hbm.at[rs, cs], bufs[b], sis[b]).wait()
            compute_block(bufs[b])
            pltpu.async_copy(bufs[b], out_hbm.at[rs, cs], sos[b])

            bm = (b + 2) % _NBUF

            @pl.when(c + 2 < nblk)
            def _start_ahead():
                @pl.when(c >= 2)
                def _wait_old_out():
                    rso, cso = blk_slice(c - 2)
                    pltpu.make_async_copy(
                        bufs[bm], out_hbm.at[rso, cso], sos[bm]).wait()
                rs2, cs2 = blk_slice(c + 2)
                pltpu.async_copy(x_hbm.at[rs2, cs2], bufs[bm], sis[bm])
        return 0

    lax.fori_loop(0, nblk // _NBUF, ring_body, 0)

    for b in range(_NBUF):
        c = nblk - _NBUF + b
        rs, cs = blk_slice(c)
        pltpu.make_async_copy(bufs[c % _NBUF], out_hbm.at[rs, cs],
                              sos[c % _NBUF]).wait()


def kernel(x, values):
    mesh = plsc.VectorSubcoreMesh(core_axis_name="c", subcore_axis_name="s")
    vals_pad = jnp.pad(values, (0, 32 - NUM_KNOTS))
    scratch = [pltpu.VMEM((32,), jnp.float32)] * 5
    scratch += [pltpu.VMEM((_BR, _BC), jnp.float32)] * _NBUF
    scratch += [pltpu.SemaphoreType.DMA] * (2 * _NBUF)
    run = functools.partial(
        pl.kernel,
        mesh=mesh,
        compiler_params=pltpu.CompilerParams(needs_layout_passes=False),
        out_type=jax.ShapeDtypeStruct(x.shape, jnp.float32),
        scratch_types=scratch,
    )(_spline_body)
    return run(x, vals_pad)

# --- scband reference (transcript-rebuilt; emitter-appended) ---
"""Pipeline reference for scband-cubic-spline-function-83399674954384 (READ-ONLY COPY).

The authoritative reference and input builder live on the scoring server;
editing this copy changes nothing except your own understanding.
"""

import jax, jax.numpy as jnp
import numpy as np

NUM_KNOTS = 20
X_MIN = -5.0
X_MAX = 5.0


def setup_inputs(seed: int = 0) -> dict:
    key = jax.random.key(seed)
    k1, k2 = jax.random.split(key)
    x = jax.random.normal(k1, (4096, 8192), dtype=jnp.float32)
    values = jax.random.normal(k2, (NUM_KNOTS,), dtype=jnp.float32)
    return {"x": x, "values": values}


def reference(x, values):
    dx = (X_MAX - X_MIN) / (NUM_KNOTS - 1)
    xc = jnp.clip(x, X_MIN, X_MAX)
    u = (xc - X_MIN) / dx
    i = jnp.floor(u).astype(jnp.int32)
    u = u - i.astype(u.dtype)
    i0 = jnp.clip(i - 1, 0, NUM_KNOTS - 1)
    i1 = jnp.clip(i, 0, NUM_KNOTS - 1)
    i2 = jnp.clip(i + 1, 0, NUM_KNOTS - 1)
    i3 = jnp.clip(i + 2, 0, NUM_KNOTS - 1)
    v0 = jnp.take(values, i0, axis=0)
    v1 = jnp.take(values, i1, axis=0)
    v2 = jnp.take(values, i2, axis=0)
    v3 = jnp.take(values, i3, axis=0)
    u2 = u * u
    u3 = u2 * u
    out = 0.5 * ((-v0 + 3 * v1 - 3 * v2 + v3) * u3
                 + (2 * v0 - 5 * v1 + 4 * v2 - v3) * u2
                 + (-v0 + v2) * u
                 + 2 * v1)
    return out

if __name__ == "__main__":
    import jax
    _d = setup_inputs()
    print(jax.jit(kernel)(*tuple(_d.values())))

</pallas_src>

<mosaic_0001>
#map = affine_map<(d0, d1) -> (0, 0)>
#map1 = affine_map<(d0, d1) -> (0)>
module attributes {stable_mosaic.version = 14 : i64} {
  func.func @_spline_body(%arg0: i32, %arg1: i32, %arg2: memref<4096x8192xf32, #tpu.memory_space<hbm>>, %arg3: memref<32xf32, #tpu.memory_space<hbm>>, %arg4: memref<4096x8192xf32, #tpu.memory_space<hbm>>, %arg5: memref<32xf32, #tpu.memory_space<vmem>>, %arg6: memref<32xf32, #tpu.memory_space<vmem>>, %arg7: memref<32xf32, #tpu.memory_space<vmem>>, %arg8: memref<32xf32, #tpu.memory_space<vmem>>, %arg9: memref<32xf32, #tpu.memory_space<vmem>>, %arg10: memref<2x8192xf32, #tpu.memory_space<vmem>>, %arg11: memref<2x8192xf32, #tpu.memory_space<vmem>>, %arg12: memref<2x8192xf32, #tpu.memory_space<vmem>>, %arg13: memref<2x8192xf32, #tpu.memory_space<vmem>>, %arg14: memref<!tpu.dma_semaphore, #tpu.memory_space<semaphore_mem>>, %arg15: memref<!tpu.dma_semaphore, #tpu.memory_space<semaphore_mem>>, %arg16: memref<!tpu.dma_semaphore, #tpu.memory_space<semaphore_mem>>, %arg17: memref<!tpu.dma_semaphore, #tpu.memory_space<semaphore_mem>>, %arg18: memref<!tpu.dma_semaphore, #tpu.memory_space<semaphore_mem>>, %arg19: memref<!tpu.dma_semaphore, #tpu.memory_space<semaphore_mem>>, %arg20: memref<!tpu.dma_semaphore, #tpu.memory_space<semaphore_mem>>, %arg21: memref<!tpu.dma_semaphore, #tpu.memory_space<semaphore_mem>>) attributes {dimension_semantics = [#tpu.dimension_semantics<core_parallel>, #tpu.dimension_semantics<subcore_parallel>], iteration_bounds = array<i64: 2, 16>, scalar_prefetch = 0 : i64, scratch_operands = 17 : i64, tpu.core_type = #tpu.core_type<sc_vector_subcore>, window_params = [{transform_indices = #map}, {transform_indices = #map1}, {transform_indices = #map}]} {
    %mul3A = arith.constant 2 : i32
    %mul3A_0 = arith.muli %arg1, %mul3A : i32
    %add3A = arith.addi %mul3A_0, %arg0 : i32
    %mul3A_1 = arith.constant 64 : i32
    %mul3A_2 = arith.muli %add3A, %mul3A_1 : i32
    %mul3A_3 = arith.constant 2 : i32
    %mul3A_4 = arith.muli %mul3A_2, %mul3A_3 : i32
    "tpu.region"() ({
      %run_scoped3A = tpu.sem_alloc : memref<!tpu.dma_semaphore, #tpu.memory_space<semaphore_mem>>
      tpu.enqueue_dma source(%arg3 : memref<32xf32, #tpu.memory_space<hbm>>) target(%arg5 : memref<32xf32, #tpu.memory_space<vmem>>) target_semaphore(%run_scoped3A : memref<!tpu.dma_semaphore, #tpu.memory_space<semaphore_mem>>)
      tpu.wait_dma2 semaphore(%run_scoped3A : memref<!tpu.dma_semaphore, #tpu.memory_space<semaphore_mem>>) src(%arg3 : memref<32xf32, #tpu.memory_space<hbm>>) dst(%arg5 : memref<32xf32, #tpu.memory_space<vmem>>)
      tpu.yield
    }) : () -> ()
    %iota3A = tpu.iota {dimensions = array<i32: 0>} : vector<16xi32>
    %add3A_5 = arith.constant 0 : i32
    %add3A_6 = vector.broadcast %add3A_5 : i32 to vector<16xi32>
    %add3A_7 = arith.addi %iota3A, %add3A_6 : vector<16xi32>
    %min3A = arith.constant 19 : i32
    %min3A_8 = vector.broadcast %min3A : i32 to vector<16xi32>
    %min3A_9 = arith.minsi %add3A_7, %min3A_8 : vector<16xi32>
    %sub3A = arith.constant 1 : i32
    %sub3A_10 = vector.broadcast %sub3A : i32 to vector<16xi32>
    %sub3A_11 = arith.subi %add3A_7, %sub3A_10 : vector<16xi32>
    %jit3A = arith.constant 0 : i32
    %jit3A_12 = arith.constant 19 : i32
    %max3A = vector.broadcast %jit3A : i32 to vector<16xi32>
    %max3A_13 = arith.maxsi %max3A, %sub3A_11 : vector<16xi32>
    %min3A_14 = vector.broadcast %jit3A_12 : i32 to vector<16xi32>
    %min3A_15 = arith.minsi %min3A_14, %max3A_13 : vector<16xi32>
    %add3A_16 = arith.constant 1 : i32
    %add3A_17 = vector.broadcast %add3A_16 : i32 to vector<16xi32>
    %add3A_18 = arith.addi %add3A_7, %add3A_17 : vector<16xi32>
    %min3A_19 = arith.constant 19 : i32
    %min3A_20 = vector.broadcast %min3A_19 : i32 to vector<16xi32>
    %min3A_21 = arith.minsi %add3A_18, %min3A_20 : vector<16xi32>
    %add3A_22 = arith.constant 2 : i32
    %add3A_23 = vector.broadcast %add3A_22 : i32 to vector<16xi32>
    %add3A_24 = arith.addi %add3A_7, %add3A_23 : vector<16xi32>
    %min3A_25 = arith.constant 19 : i32
    %min3A_26 = vector.broadcast %min3A_25 : i32 to vector<16xi32>
    %min3A_27 = arith.minsi %add3A_24, %min3A_26 : vector<16xi32>
    %gather3A = tpu.vector_load_idx %arg5[%min3A_15] : memref<32xf32, #tpu.memory_space<vmem>>[vector<16xi32>], vector<16xf32>,
    %gather3A_28 = tpu.vector_load_idx %arg5[%min3A_9] : memref<32xf32, #tpu.memory_space<vmem>>[vector<16xi32>], vector<16xf32>,
    %gather3A_29 = tpu.vector_load_idx %arg5[%min3A_21] : memref<32xf32, #tpu.memory_space<vmem>>[vector<16xi32>], vector<16xf32>,
    %gather3A_30 = tpu.vector_load_idx %arg5[%min3A_27] : memref<32xf32, #tpu.memory_space<vmem>>[vector<16xi32>], vector<16xf32>,
    %neg3A = arith.constant 0.000000e+00 : f32
    %neg3A_31 = vector.broadcast %neg3A : f32 to vector<16xf32>
    %neg3A_32 = arith.subf %neg3A_31, %gather3A : vector<16xf32>
    %mul3A_33 = arith.constant 3.000000e+00 : f32
    %mul3A_34 = vector.broadcast %mul3A_33 : f32 to vector<16xf32>
    %mul3A_35 = arith.mulf %mul3A_34, %gather3A_28 : vector<16xf32>
    %add3A_36 = arith.addf %neg3A_32, %mul3A_35 : vector<16xf32>
    %mul3A_37 = arith.constant 3.000000e+00 : f32
    %mul3A_38 = vector.broadcast %mul3A_37 : f32 to vector<16xf32>
    %mul3A_39 = arith.mulf %mul3A_38, %gather3A_29 : vector<16xf32>
    %sub3A_40 = arith.subf %add3A_36, %mul3A_39 : vector<16xf32>
    %add3A_41 = arith.addf %sub3A_40, %gather3A_30 : vector<16xf32>
    %mul3A_42 = arith.constant 5.000000e-01 : f32
    %mul3A_43 = vector.broadcast %mul3A_42 : f32 to vector<16xf32>
    %mul3A_44 = arith.mulf %mul3A_43, %add3A_41 : vector<16xf32>
    %swap3A = arith.constant 0 : index
    %swap3A_45 = tpu.vector_load %arg6[%swap3A] {strides = array<i32>} : memref<32xf32, #tpu.memory_space<vmem>>, vector<16xf32>,
    tpu.vector_store %arg6[%swap3A], %mul3A_44 {strides = array<i32>} : memref<32xf32, #tpu.memory_space<vmem>>, vector<16xf32>,
    %mul3A_46 = arith.constant 2.000000e+00 : f32
    %mul3A_47 = vector.broadcast %mul3A_46 : f32 to vector<16xf32>
    %mul3A_48 = arith.mulf %mul3A_47, %gather3A : vector<16xf32>
    %mul3A_49 = arith.constant 5.000000e+00 : f32
    %mul3A_50 = vector.broadcast %mul3A_49 : f32 to vector<16xf32>
    %mul3A_51 = arith.mulf %mul3A_50, %gather3A_28 : vector<16xf32>
    %sub3A_52 = arith.subf %mul3A_48, %mul3A_51 : vector<16xf32>
    %mul3A_53 = arith.constant 4.000000e+00 : f32
    %mul3A_54 = vector.broadcast %mul3A_53 : f32 to vector<16xf32>
    %mul3A_55 = arith.mulf %mul3A_54, %gather3A_29 : vector<16xf32>
    %add3A_56 = arith.addf %sub3A_52, %mul3A_55 : vector<16xf32>
    %sub3A_57 = arith.subf %add3A_56, %gather3A_30 : vector<16xf32>
    %mul3A_58 = arith.constant 5.000000e-01 : f32
    %mul3A_59 = vector.broadcast %mul3A_58 : f32 to vector<16xf32>
    %mul3A_60 = arith.mulf %mul3A_59, %sub3A_57 : vector<16xf32>
    %swap3A_61 = arith.constant 0 : index
    %swap3A_62 = tpu.vector_load %arg7[%swap3A_61] {strides = array<i32>} : memref<32xf32, #tpu.memory_space<vmem>>, vector<16xf32>,
    tpu.vector_store %arg7[%swap3A_61], %mul3A_60 {strides = array<i32>} : memref<32xf32, #tpu.memory_space<vmem>>, vector<16xf32>,
    %sub3A_63 = arith.subf %gather3A_29, %gather3A : vector<16xf32>
    %mul3A_64 = arith.constant 5.000000e-01 : f32
    %mul3A_65 = vector.broadcast %mul3A_64 : f32 to vector<16xf32>
    %mul3A_66 = arith.mulf %mul3A_65, %sub3A_63 : vector<16xf32>
    %swap3A_67 = arith.constant 0 : index
    %swap3A_68 = tpu.vector_load %arg8[%swap3A_67] {strides = array<i32>} : memref<32xf32, #tpu.memory_space<vmem>>, vector<16xf32>,
    tpu.vector_store %arg8[%swap3A_67], %mul3A_66 {strides = array<i32>} : memref<32xf32, #tpu.memory_space<vmem>>, vector<16xf32>,
    %swap3A_69 = arith.constant 0 : index
    %swap3A_70 = tpu.vector_load %arg9[%swap3A_69] {strides = array<i32>} : memref<32xf32, #tpu.memory_space<vmem>>, vector<16xf32>,
    tpu.vector_store %arg9[%swap3A_69], %gather3A_28 {strides = array<i32>} : memref<32xf32, #tpu.memory_space<vmem>>, vector<16xf32>,
    %iota3A_71 = tpu.iota {dimensions = array<i32: 0>} : vector<16xi32>
    %add3A_72 = arith.constant 16 : i32
    %add3A_73 = vector.broadcast %add3A_72 : i32 to vector<16xi32>
    %add3A_74 = arith.addi %iota3A_71, %add3A_73 : vector<16xi32>
    %min3A_75 = arith.constant 19 : i32
    %min3A_76 = vector.broadcast %min3A_75 : i32 to vector<16xi32>
    %min3A_77 = arith.minsi %add3A_74, %min3A_76 : vector<16xi32>
    %sub3A_78 = arith.constant 1 : i32
    %sub3A_79 = vector.broadcast %sub3A_78 : i32 to vector<16xi32>
    %sub3A_80 = arith.subi %add3A_74, %sub3A_79 : vector<16xi32>
    %jit3A_81 = arith.constant 0 : i32
    %jit3A_82 = arith.constant 19 : i32
    %max3A_83 = vector.broadcast %jit3A_81 : i32 to vector<16xi32>
    %max3A_84 = arith.maxsi %max3A_83, %sub3A_80 : vector<16xi32>
    %min3A_85 = vector.broadcast %jit3A_82 : i32 to vector<16xi32>
    %min3A_86 = arith.minsi %min3A_85, %max3A_84 : vector<16xi32>
    %add3A_87 = arith.constant 1 : i32
    %add3A_88 = vector.broadcast %add3A_87 : i32 to vector<16xi32>
    %add3A_89 = arith.addi %add3A_74, %add3A_88 : vector<16xi32>
    %min3A_90 = arith.constant 19 : i32
    %min3A_91 = vector.broadcast %min3A_90 : i32 to vector<16xi32>
    %min3A_92 = arith.minsi %add3A_89, %min3A_91 : vector<16xi32>
    %add3A_93 = arith.constant 2 : i32
    %add3A_94 = vector.broadcast %add3A_93 : i32 to vector<16xi32>
    %add3A_95 = arith.addi %add3A_74, %add3A_94 : vector<16xi32>
    %min3A_96 = arith.constant 19 : i32
    %min3A_97 = vector.broadcast %min3A_96 : i32 to vector<16xi32>
    %min3A_98 = arith.minsi %add3A_95, %min3A_97 : vector<16xi32>
    %gather3A_99 = tpu.vector_load_idx %arg5[%min3A_86] : memref<32xf32, #tpu.memory_space<vmem>>[vector<16xi32>], vector<16xf32>,
    %gather3A_100 = tpu.vector_load_idx %arg5[%min3A_77] : memref<32xf32, #tpu.memory_space<vmem>>[vector<16xi32>], vector<16xf32>,
    %gather3A_101 = tpu.vector_load_idx %arg5[%min3A_92] : memref<32xf32, #tpu.memory_space<vmem>>[vector<16xi32>], vector<16xf32>,
    %gather3A_102 = tpu.vector_load_idx %arg5[%min3A_98] : memref<32xf32, #tpu.memory_space<vmem>>[vector<16xi32>], vector<16xf32>,
    %neg3A_103 = arith.constant 0.000000e+00 : f32
    %neg3A_104 = vector.broadcast %neg3A_103 : f32 to vector<16xf32>
    %neg3A_105 = arith.subf %neg3A_104, %gather3A_99 : vector<16xf32>
    %mul3A_106 = arith.constant 3.000000e+00 : f32
    %mul3A_107 = vector.broadcast %mul3A_106 : f32 to vector<16xf32>
    %mul3A_108 = arith.mulf %mul3A_107, %gather3A_100 : vector<16xf32>
    %add3A_109 = arith.addf %neg3A_105, %mul3A_108 : vector<16xf32>
    %mul3A_110 = arith.constant 3.000000e+00 : f32
    %mul3A_111 = vector.broadcast %mul3A_110 : f32 to vector<16xf32>
    %mul3A_112 = arith.mulf %mul3A_111, %gather3A_101 : vector<16xf32>
    %sub3A_113 = arith.subf %add3A_109, %mul3A_112 : vector<16xf32>
    %add3A_114 = arith.addf %sub3A_113, %gather3A_102 : vector<16xf32>
    %mul3A_115 = arith.constant 5.000000e-01 : f32
    %mul3A_116 = vector.broadcast %mul3A_115 : f32 to vector<16xf32>
    %mul3A_117 = arith.mulf %mul3A_116, %add3A_114 : vector<16xf32>
    %swap3A_118 = arith.constant 16 : index
    %swap3A_119 = tpu.vector_load %arg6[%swap3A_118] {strides = array<i32>} : memref<32xf32, #tpu.memory_space<vmem>>, vector<16xf32>,
    tpu.vector_store %arg6[%swap3A_118], %mul3A_117 {strides = array<i32>} : memref<32xf32, #tpu.memory_space<vmem>>, vector<16xf32>,
    %mul3A_120 = arith.constant 2.000000e+00 : f32
    %mul3A_121 = vector.broadcast %mul3A_120 : f32 to vector<16xf32>
    %mul3A_122 = arith.mulf %mul3A_121, %gather3A_99 : vector<16xf32>
    %mul3A_123 = arith.constant 5.000000e+00 : f32
    %mul3A_124 = vector.broadcast %mul3A_123 : f32 to vector<16xf32>
    %mul3A_125 = arith.mulf %mul3A_124, %gather3A_100 : vector<16xf32>
    %sub3A_126 = arith.subf %mul3A_122, %mul3A_125 : vector<16xf32>
    %mul3A_127 = arith.constant 4.000000e+00 : f32
    %mul3A_128 = vector.broadcast %mul3A_127 : f32 to vector<16xf32>
    %mul3A_129 = arith.mulf %mul3A_128, %gather3A_101 : vector<16xf32>
    %add3A_130 = arith.addf %sub3A_126, %mul3A_129 : vector<16xf32>
    %sub3A_131 = arith.subf %add3A_130, %gather3A_102 : vector<16xf32>
    %mul3A_132 = arith.constant 5.000000e-01 : f32
    %mul3A_133 = vector.broadcast %mul3A_132 : f32 to vector<16xf32>
    %mul3A_134 = arith.mulf %mul3A_133, %sub3A_131 : vector<16xf32>
    %swap3A_135 = arith.constant 16 : index
    %swap3A_136 = tpu.vector_load %arg7[%swap3A_135] {strides = array<i32>} : memref<32xf32, #tpu.memory_space<vmem>>, vector<16xf32>,
    tpu.vector_store %arg7[%swap3A_135], %mul3A_134 {strides = array<i32>} : memref<32xf32, #tpu.memory_space<vmem>>, vector<16xf32>,
    %sub3A_137 = arith.subf %gather3A_101, %gather3A_99 : vector<16xf32>
    %mul3A_138 = arith.constant 5.000000e-01 : f32
    %mul3A_139 = vector.broadcast %mul3A_138 : f32 to vector<16xf32>
    %mul3A_140 = arith.mulf %mul3A_139, %sub3A_137 : vector<16xf32>
    %swap3A_141 = arith.constant 16 : index
    %swap3A_142 = tpu.vector_load %arg8[%swap3A_141] {strides = array<i32>} : memref<32xf32, #tpu.memory_space<vmem>>, vector<16xf32>,
    tpu.vector_store %arg8[%swap3A_141], %mul3A_140 {strides = array<i32>} : memref<32xf32, #tpu.memory_space<vmem>>, vector<16xf32>,
    %swap3A_143 = arith.constant 16 : index
    %swap3A_144 = tpu.vector_load %arg9[%swap3A_143] {strides = array<i32>} : memref<32xf32, #tpu.memory_space<vmem>>, vector<16xf32>,
    tpu.vector_store %arg9[%swap3A_143], %gather3A_100 {strides = array<i32>} : memref<32xf32, #tpu.memory_space<vmem>>, vector<16xf32>,
    %add3A_145 = arith.constant 0 : i32
    %add3A_146 = arith.addi %mul3A_4, %add3A_145 : i32
    %dma_start3A = arith.constant 0 : i32
    %dma_start3A_147 = tpu.memref_slice %arg2[%add3A_146, %dma_start3A] : memref<4096x8192xf32, #tpu.memory_space<hbm>> -> memref<2x8192xf32, #tpu.memory_space<hbm>>
    %dma_start3A_148 = arith.constant 0 : i32
    %dma_start3A_149 = tpu.memref_slice %arg2[%add3A_146, %dma_start3A_148] : memref<4096x8192xf32, #tpu.memory_space<hbm>> -> memref<2x8192xf32, #tpu.memory_space<hbm>>
    tpu.enqueue_dma source(%dma_start3A_149 : memref<2x8192xf32, #tpu.memory_space<hbm>>) target(%arg10 : memref<2x8192xf32, #tpu.memory_space<vmem>>) target_semaphore(%arg14 : memref<!tpu.dma_semaphore, #tpu.memory_space<semaphore_mem>>)
    %add3A_150 = arith.constant 2 : i32
    %add3A_151 = arith.addi %mul3A_4, %add3A_150 : i32
    %dma_start3A_152 = arith.constant 0 : i32
    %dma_start3A_153 = tpu.memref_slice %arg2[%add3A_151, %dma_start3A_152] : memref<4096x8192xf32, #tpu.memory_space<hbm>> -> memref<2x8192xf32, #tpu.memory_space<hbm>>
    %dma_start3A_154 = arith.constant 0 : i32
    %dma_start3A_155 = tpu.memref_slice %arg2[%add3A_151, %dma_start3A_154] : memref<4096x8192xf32, #tpu.memory_space<hbm>> -> memref<2x8192xf32, #tpu.memory_space<hbm>>
    tpu.enqueue_dma source(%dma_start3A_155 : memref<2x8192xf32, #tpu.memory_space<hbm>>) target(%arg11 : memref<2x8192xf32, #tpu.memory_space<vmem>>) target_semaphore(%arg15 : memref<!tpu.dma_semaphore, #tpu.memory_space<semaphore_mem>>)
    %scan3A = arith.constant 1.900000e+00 : f32
    %scan3A_156 = arith.constant 0 : i32
    %scan3A_157 = arith.constant 0 : i32
    %scan3A_158 = arith.constant 16 : i32
    %scan3A_159 = arith.addi %scan3A_157, %scan3A_158 : i32
    %scan3A_160 = arith.constant 1 : i32
    %scan3A_161 = scf.for %scan3A_186 = %scan3A_157 to %scan3A_159 step %scan3A_160 iter_args(%scan3A_187 = %scan3A_156) -> (i32)  : i32 {
      %mul3A_188 = arith.constant 4 : i32
      %mul3A_189 = arith.muli %scan3A_186, %mul3A_188 : i32
      %add3A_190 = arith.constant 0 : i32
      %add3A_191 = arith.addi %mul3A_189, %add3A_190 : i32
      %jit3A_192 = arith.constant 1 : i32
      %div3A = arith.divsi %add3A_191, %jit3A_192 : i32
      %sign3A = arith.constant 0 : i32
      %sign3A_193 = arith.cmpi sgt, %add3A_191, %sign3A : i32
      %sign3A_194 = arith.extui %sign3A_193 : i1 to i32
      %sign3A_195 = arith.constant 0 : i32
      %sign3A_196 = arith.cmpi slt, %add3A_191, %sign3A_195 : i32
      %sign3A_197 = arith.extui %sign3A_196 : i1 to i32
      %sign3A_198 = arith.subi %sign3A_194, %sign3A_197 : i32
      %sign3A_199 = arith.constant 0 : i32
      %sign3A_200 = arith.cmpi sgt, %jit3A_192, %sign3A_199 : i32
      %sign3A_201 = arith.extui %sign3A_200 : i1 to i32
      %sign3A_202 = arith.constant 0 : i32
      %sign3A_203 = arith.cmpi slt, %jit3A_192, %sign3A_202 : i32
      %sign3A_204 = arith.extui %sign3A_203 : i1 to i32
      %sign3A_205 = arith.subi %sign3A_201, %sign3A_204 : i32
      %ne3A = arith.cmpi ne, %sign3A_198, %sign3A_205 : i32
      %rem3A = arith.remsi %add3A_191, %jit3A_192 : i32
      %ne3A_206 = arith.constant 0 : i32
      %ne3A_207 = arith.cmpi ne, %rem3A, %ne3A_206 : i32
      %and3A = arith.andi %ne3A, %ne3A_207 : i1
      %sub3A_208 = arith.constant 1 : i32
      %sub3A_209 = arith.subi %div3A, %sub3A_208 : i32
      %select_n3A = arith.select %and3A, %sub3A_209, %div3A : i32
      %mul3A_210 = arith.constant 1 : i32
      %mul3A_211 = arith.muli %select_n3A, %mul3A_210 : i32
      %sub3A_212 = arith.subi %add3A_191, %mul3A_211 : i32
      %mul3A_213 = arith.constant 2 : i32
      %mul3A_214 = arith.muli %select_n3A, %mul3A_213 : i32
      %add3A_215 = arith.addi %mul3A_4, %mul3A_214 : i32
      %mul3A_216 = arith.constant 8192 : i32
      %mul3A_217 = arith.muli %sub3A_212, %mul3A_216 : i32
      %dma_wait3A_218 = tpu.memref_slice %arg2[%add3A_215, %mul3A_217] : memref<4096x8192xf32, #tpu.memory_space<hbm>> -> memref<2x8192xf32, #tpu.memory_space<hbm>>
      %dma_wait3A_219 = tpu.memref_slice %arg2[%add3A_215, %mul3A_217] : memref<4096x8192xf32, #tpu.memory_space<hbm>> -> memref<2x8192xf32, #tpu.memory_space<hbm>>
      tpu.wait_dma2 semaphore(%arg14 : memref<!tpu.dma_semaphore, #tpu.memory_space<semaphore_mem>>) src(%dma_wait3A_219 : memref<2x8192xf32, #tpu.memory_space<hbm>>) dst(%arg10 : memref<2x8192xf32, #tpu.memory_space<vmem>>)
      %parallel_loop3A = arith.constant 0 : i32
      %parallel_loop3A_220 = arith.constant 512 : i32
      %parallel_loop3A_221 = arith.constant 1 : i32
      scf.for %parallel_loop3A_379 = %parallel_loop3A to %parallel_loop3A_220 step %parallel_loop3A_221  : i32 {
        %parallel_loop3A_380 = arith.constant 16 : i32
        %parallel_loop3A_381 = arith.muli %parallel_loop3A_379, %parallel_loop3A_380 : i32
        %parallel_loop3A_382 = arith.constant 0 : i32
        %parallel_loop3A_383 = arith.index_cast %parallel_loop3A_382 : i32 to index
        %parallel_loop3A_384 = arith.index_cast %parallel_loop3A_381 : i32 to index
        %parallel_loop3A_385 = tpu.vector_load %arg10[%parallel_loop3A_383, %parallel_loop3A_384] {strides = array<i32>} : memref<2x8192xf32, #tpu.memory_space<vmem>>, vector<16xf32>,
        %parallel_loop3A_386 = arith.constant -5.000000e+00 : f32
        %parallel_loop3A_387 = vector.broadcast %parallel_loop3A_386 : f32 to vector<16xf32>
        %parallel_loop3A_388 = arith.maximumf %parallel_loop3A_385, %parallel_loop3A_387 : vector<16xf32>
        %parallel_loop3A_389 = arith.constant 5.000000e+00 : f32
        %parallel_loop3A_390 = vector.broadcast %parallel_loop3A_389 : f32 to vector<16xf32>
        %parallel_loop3A_391 = arith.minimumf %parallel_loop3A_388, %parallel_loop3A_390 : vector<16xf32>
        %parallel_loop3A_392 = arith.constant -5.000000e+00 : f32
        %parallel_loop3A_393 = vector.broadcast %parallel_loop3A_392 : f32 to vector<16xf32>
        %parallel_loop3A_394 = arith.subf %parallel_loop3A_391, %parallel_loop3A_393 : vector<16xf32>
        %parallel_loop3A_395 = vector.broadcast %scan3A : f32 to vector<16xf32>
        %parallel_loop3A_396 = arith.mulf %parallel_loop3A_394, %parallel_loop3A_395 : vector<16xf32>
        %parallel_loop3A_397 = arith.fptosi %parallel_loop3A_396 : vector<16xf32> to vector<16xi32>
        %parallel_loop3A_398 = arith.sitofp %parallel_loop3A_397 : vector<16xi32> to vector<16xf32>
        %parallel_loop3A_399 = arith.subf %parallel_loop3A_396, %parallel_loop3A_398 : vector<16xf32>
        %parallel_loop3A_400 = tpu.vector_load_idx %arg6[%parallel_loop3A_397] : memref<32xf32, #tpu.memory_space<vmem>>[vector<16xi32>], vector<16xf32>,
        %parallel_loop3A_401 = tpu.vector_load_idx %arg7[%parallel_loop3A_397] : memref<32xf32, #tpu.memory_space<vmem>>[vector<16xi32>], vector<16xf32>,
        %parallel_loop3A_402 = tpu.vector_load_idx %arg8[%parallel_loop3A_397] : memref<32xf32, #tpu.memory_space<vmem>>[vector<16xi32>], vector<16xf32>,
        %parallel_loop3A_403 = tpu.vector_load_idx %arg9[%parallel_loop3A_397] : memref<32xf32, #tpu.memory_space<vmem>>[vector<16xi32>], vector<16xf32>,
        %parallel_loop3A_404 = arith.mulf %parallel_loop3A_400, %parallel_loop3A_399 : vector<16xf32>
        %parallel_loop3A_405 = arith.addf %parallel_loop3A_404, %parallel_loop3A_401 : vector<16xf32>
        %parallel_loop3A_406 = arith.mulf %parallel_loop3A_405, %parallel_loop3A_399 : vector<16xf32>
        %parallel_loop3A_407 = arith.addf %parallel_loop3A_406, %parallel_loop3A_402 : vector<16xf32>
        %parallel_loop3A_408 = arith.mulf %parallel_loop3A_407, %parallel_loop3A_399 : vector<16xf32>
        %parallel_loop3A_409 = arith.addf %parallel_loop3A_408, %parallel_loop3A_403 : vector<16xf32>
        %parallel_loop3A_410 = arith.constant 0 : i32
        %parallel_loop3A_411 = arith.index_cast %parallel_loop3A_410 : i32 to index
        %parallel_loop3A_412 = arith.index_cast %parallel_loop3A_381 : i32 to index
        %parallel_loop3A_413 = tpu.vector_load %arg10[%parallel_loop3A_411, %parallel_loop3A_412] {strides = array<i32>} : memref<2x8192xf32, #tpu.memory_space<vmem>>, vector<16xf32>,
        tpu.vector_store %arg10[%parallel_loop3A_411, %parallel_loop3A_412], %parallel_loop3A_409 {strides = array<i32>} : memref<2x8192xf32, #tpu.memory_space<vmem>>, vector<16xf32>,
        %parallel_loop3A_414 = arith.constant 1 : i32
        %parallel_loop3A_415 = arith.index_cast %parallel_loop3A_414 : i32 to index
        %parallel_loop3A_416 = arith.index_cast %parallel_loop3A_381 : i32 to index
        %parallel_loop3A_417 = tpu.vector_load %arg10[%parallel_loop3A_415, %parallel_loop3A_416] {strides = array<i32>} : memref<2x8192xf32, #tpu.memory_space<vmem>>, vector<16xf32>,
        %parallel_loop3A_418 = arith.constant -5.000000e+00 : f32
        %parallel_loop3A_419 = vector.broadcast %parallel_loop3A_418 : f32 to vector<16xf32>
        %parallel_loop3A_420 = arith.maximumf %parallel_loop3A_417, %parallel_loop3A_419 : vector<16xf32>
        %parallel_loop3A_421 = arith.constant 5.000000e+00 : f32
        %parallel_loop3A_422 = vector.broadcast %parallel_loop3A_421 : f32 to vector<16xf32>
        %parallel_loop3A_423 = arith.minimumf %parallel_loop3A_420, %parallel_loop3A_422 : vector<16xf32>
        %parallel_loop3A_424 = arith.constant -5.000000e+00 : f32
        %parallel_loop3A_425 = vector.broadcast %parallel_loop3A_424 : f32 to vector<16xf32>
        %parallel_loop3A_426 = arith.subf %parallel_loop3A_423, %parallel_loop3A_425 : vector<16xf32>
        %parallel_loop3A_427 = vector.broadcast %scan3A : f32 to vector<16xf32>
        %parallel_loop3A_428 = arith.mulf %parallel_loop3A_426, %parallel_loop3A_427 : vector<16xf32>
        %parallel_loop3A_429 = arith.fptosi %parallel_loop3A_428 : vector<16xf32> to vector<16xi32>
        %parallel_loop3A_430 = arith.sitofp %parallel_loop3A_429 : vector<16xi32> to vector<16xf32>
        %parallel_loop3A_431 = arith.subf %parallel_loop3A_428, %parallel_loop3A_430 : vector<16xf32>
        %parallel_loop3A_432 = tpu.vector_load_idx %arg6[%parallel_loop3A_429] : memref<32xf32, #tpu.memory_space<vmem>>[vector<16xi32>], vector<16xf32>,
        %parallel_loop3A_433 = tpu.vector_load_idx %arg7[%parallel_loop3A_429] : memref<32xf32, #tpu.memory_space<vmem>>[vector<16xi32>], vector<16xf32>,
        %parallel_loop3A_434 = tpu.vector_load_idx %arg8[%parallel_loop3A_429] : memref<32xf32, #tpu.memory_space<vmem>>[vector<16xi32>], vector<16xf32>,
        %parallel_loop3A_435 = tpu.vector_load_idx %arg9[%parallel_loop3A_429] : memref<32xf32, #tpu.memory_space<vmem>>[vector<16xi32>], vector<16xf32>,
        %parallel_loop3A_436 = arith.mulf %parallel_loop3A_432, %parallel_loop3A_431 : vector<16xf32>
        %parallel_loop3A_437 = arith.addf %parallel_loop3A_436, %parallel_loop3A_433 : vector<16xf32>
        %parallel_loop3A_438 = arith.mulf %parallel_loop3A_437, %parallel_loop3A_431 : vector<16xf32>
        %parallel_loop3A_439 = arith.addf %parallel_loop3A_438, %parallel_loop3A_434 : vector<16xf32>
        %parallel_loop3A_440 = arith.mulf %parallel_loop3A_439, %parallel_loop3A_431 : vector<16xf32>
        %parallel_loop3A_441 = arith.addf %parallel_loop3A_440, %parallel_loop3A_435 : vector<16xf32>
        %parallel_loop3A_442 = arith.constant 1 : i32
        %parallel_loop3A_443 = arith.index_cast %parallel_loop3A_442 : i32 to index
        %parallel_loop3A_444 = arith.index_cast %parallel_loop3A_381 : i32 to index
        %parallel_loop3A_445 = tpu.vector_load %arg10[%parallel_loop3A_443, %parallel_loop3A_444] {strides = array<i32>} : memref<2x8192xf32, #tpu.memory_space<vmem>>, vector<16xf32>,
        tpu.vector_store %arg10[%parallel_loop3A_443, %parallel_loop3A_444], %parallel_loop3A_441 {strides = array<i32>} : memref<2x8192xf32, #tpu.memory_space<vmem>>, vector<16xf32>,
      } {sc.loop_unroll_factor = 2 : i64, sc.parallel_access}
      %dma_start3A_222 = tpu.memref_slice %arg4[%add3A_215, %mul3A_217] : memref<4096x8192xf32, #tpu.memory_space<hbm>> -> memref<2x8192xf32, #tpu.memory_space<hbm>>
      %dma_start3A_223 = tpu.memref_slice %arg4[%add3A_215, %mul3A_217] : memref<4096x8192xf32, #tpu.memory_space<hbm>> -> memref<2x8192xf32, #tpu.memory_space<hbm>>
      tpu.enqueue_dma source(%arg10 : memref<2x8192xf32, #tpu.memory_space<vmem>>) target(%dma_start3A_223 : memref<2x8192xf32, #tpu.memory_space<hbm>>) target_semaphore(%arg18 : memref<!tpu.dma_semaphore, #tpu.memory_space<semaphore_mem>>)
      %add3A_224 = arith.constant 2 : i32
      %add3A_225 = arith.addi %add3A_191, %add3A_224 : i32
      %lt3A = arith.constant 64 : i32
      %lt3A_226 = arith.cmpi slt, %add3A_225, %lt3A : i32
      %convert_element_type3A = arith.extui %lt3A_226 : i1 to i32
      %cond3A = arith.constant 0 : i32
      %cond3A_227 = arith.cmpi ne, %convert_element_type3A, %cond3A : i32
      scf.if %cond3A_227 {
        %ge3A = arith.constant 2 : i32
        %ge3A_379 = arith.cmpi sge, %add3A_191, %ge3A : i32
        %convert_element_type3A_380 = arith.extui %ge3A_379 : i1 to i32
        %cond3A_381 = arith.constant 0 : i32
        %cond3A_382 = arith.cmpi ne, %convert_element_type3A_380, %cond3A_381 : i32
        scf.if %cond3A_382 {
          %sub3A_419 = arith.constant 2 : i32
          %sub3A_420 = arith.subi %add3A_191, %sub3A_419 : i32
          %jit3A_421 = arith.constant 1 : i32
          %div3A_422 = arith.divsi %sub3A_420, %jit3A_421 : i32
          %sign3A_423 = arith.constant 0 : i32
          %sign3A_424 = arith.cmpi sgt, %sub3A_420, %sign3A_423 : i32
          %sign3A_425 = arith.extui %sign3A_424 : i1 to i32
          %sign3A_426 = arith.constant 0 : i32
          %sign3A_427 = arith.cmpi slt, %sub3A_420, %sign3A_426 : i32
          %sign3A_428 = arith.extui %sign3A_427 : i1 to i32
          %sign3A_429 = arith.subi %sign3A_425, %sign3A_428 : i32
          %sign3A_430 = arith.constant 0 : i32
          %sign3A_431 = arith.cmpi sgt, %jit3A_421, %sign3A_430 : i32
          %sign3A_432 = arith.extui %sign3A_431 : i1 to i32
          %sign3A_433 = arith.constant 0 : i32
          %sign3A_434 = arith.cmpi slt, %jit3A_421, %sign3A_433 : i32
          %sign3A_435 = arith.extui %sign3A_434 : i1 to i32
          %sign3A_436 = arith.subi %sign3A_432, %sign3A_435 : i32
          %ne3A_437 = arith.cmpi ne, %sign3A_429, %sign3A_436 : i32
          %rem3A_438 = arith.remsi %sub3A_420, %jit3A_421 : i32
          %ne3A_439 = arith.constant 0 : i32
          %ne3A_440 = arith.cmpi ne, %rem3A_438, %ne3A_439 : i32
          %and3A_441 = arith.andi %ne3A_437, %ne3A_440 : i1
          %sub3A_442 = arith.constant 1 : i32
          %sub3A_443 = arith.subi %div3A_422, %sub3A_442 : i32
          %select_n3A_444 = arith.select %and3A_441, %sub3A_443, %div3A_422 : i32
          %mul3A_445 = arith.constant 1 : i32
          %mul3A_446 = arith.muli %select_n3A_444, %mul3A_445 : i32
          %sub3A_447 = arith.subi %sub3A_420, %mul3A_446 : i32
          %mul3A_448 = arith.constant 2 : i32
          %mul3A_449 = arith.muli %select_n3A_444, %mul3A_448 : i32
          %add3A_450 = arith.addi %mul3A_4, %mul3A_449 : i32
          %mul3A_451 = arith.constant 8192 : i32
          %mul3A_452 = arith.muli %sub3A_447, %mul3A_451 : i32
          %dma_wait3A_453 = tpu.memref_slice %arg4[%add3A_450, %mul3A_452] : memref<4096x8192xf32, #tpu.memory_space<hbm>> -> memref<2x8192xf32, #tpu.memory_space<hbm>>
          %dma_wait3A_454 = tpu.memref_slice %arg4[%add3A_450, %mul3A_452] : memref<4096x8192xf32, #tpu.memory_space<hbm>> -> memref<2x8192xf32, #tpu.memory_space<hbm>>
          tpu.wait_dma2 semaphore(%arg20 : memref<!tpu.dma_semaphore, #tpu.memory_space<semaphore_mem>>) src(%arg12 : memref<2x8192xf32, #tpu.memory_space<vmem>>) dst(%dma_wait3A_454 : memref<2x8192xf32, #tpu.memory_space<hbm>>)
        } else {
        }
        %add3A_383 = arith.constant 2 : i32
        %add3A_384 = arith.addi %add3A_191, %add3A_383 : i32
        %jit3A_385 = arith.constant 1 : i32
        %div3A_386 = arith.divsi %add3A_384, %jit3A_385 : i32
        %sign3A_387 = arith.constant 0 : i32
        %sign3A_388 = arith.cmpi sgt, %add3A_384, %sign3A_387 : i32
        %sign3A_389 = arith.extui %sign3A_388 : i1 to i32
        %sign3A_390 = arith.constant 0 : i32
        %sign3A_391 = arith.cmpi slt, %add3A_384, %sign3A_390 : i32
        %sign3A_392 = arith.extui %sign3A_391 : i1 to i32
        %sign3A_393 = arith.subi %sign3A_389, %sign3A_392 : i32
        %sign3A_394 = arith.constant 0 : i32
        %sign3A_395 = arith.cmpi sgt, %jit3A_385, %sign3A_394 : i32
        %sign3A_396 = arith.extui %sign3A_395 : i1 to i32
        %sign3A_397 = arith.constant 0 : i32
        %sign3A_398 = arith.cmpi slt, %jit3A_385, %sign3A_397 : i32
        %sign3A_399 = arith.extui %sign3A_398 : i1 to i32
        %sign3A_400 = arith.subi %sign3A_396, %sign3A_399 : i32
        %ne3A_401 = arith.cmpi ne, %sign3A_393, %sign3A_400 : i32
        %rem3A_402 = arith.remsi %add3A_384, %jit3A_385 : i32
        %ne3A_403 = arith.constant 0 : i32
        %ne3A_404 = arith.cmpi ne, %rem3A_402, %ne3A_403 : i32
        %and3A_405 = arith.andi %ne3A_401, %ne3A_404 : i1
        %sub3A_406 = arith.constant 1 : i32
        %sub3A_407 = arith.subi %div3A_386, %sub3A_406 : i32
        %select_n3A_408 = arith.select %and3A_405, %sub3A_407, %div3A_386 : i32
        %mul3A_409 = arith.constant 1 : i32
        %mul3A_410 = arith.muli %select_n3A_408, %mul3A_409 : i32
        %sub3A_411 = arith.subi %add3A_384, %mul3A_410 : i32
        %mul3A_412 = arith.constant 2 : i32
        %mul3A_413 = arith.muli %select_n3A_408, %mul3A_412 : i32
        %add3A_414 = arith.addi %mul3A_4, %mul3A_413 : i32
        %mul3A_415 = arith.constant 8192 : i32
        %mul3A_416 = arith.muli %sub3A_411, %mul3A_415 : i32
        %dma_start3A_417 = tpu.memref_slice %arg2[%add3A_414, %mul3A_416] : memref<4096x8192xf32, #tpu.memory_space<hbm>> -> memref<2x8192xf32, #tpu.memory_space<hbm>>
        %dma_start3A_418 = tpu.memref_slice %arg2[%add3A_414, %mul3A_416] : memref<4096x8192xf32, #tpu.memory_space<hbm>> -> memref<2x8192xf32, #tpu.memory_space<hbm>>
        tpu.enqueue_dma source(%dma_start3A_418 : memref<2x8192xf32, #tpu.memory_space<hbm>>) target(%arg12 : memref<2x8192xf32, #tpu.memory_space<vmem>>) target_semaphore(%arg16 : memref<!tpu.dma_semaphore, #tpu.memory_space<semaphore_mem>>)
      } else {
      }
      %mul3A_228 = arith.constant 4 : i32
      %mul3A_229 = arith.muli %scan3A_186, %mul3A_228 : i32
      %add3A_230 = arith.constant 1 : i32
      %add3A_231 = arith.addi %mul3A_229, %add3A_230 : i32
      %jit3A_232 = arith.constant 1 : i32
      %div3A_233 = arith.divsi %add3A_231, %jit3A_232 : i32
      %sign3A_234 = arith.constant 0 : i32
      %sign3A_235 = arith.cmpi sgt, %add3A_231, %sign3A_234 : i32
      %sign3A_236 = arith.extui %sign3A_235 : i1 to i32
      %sign3A_237 = arith.constant 0 : i32
      %sign3A_238 = arith.cmpi slt, %add3A_231, %sign3A_237 : i32
      %sign3A_239 = arith.extui %sign3A_238 : i1 to i32
      %sign3A_240 = arith.subi %sign3A_236, %sign3A_239 : i32
      %sign3A_241 = arith.constant 0 : i32
      %sign3A_242 = arith.cmpi sgt, %jit3A_232, %sign3A_241 : i32
      %sign3A_243 = arith.extui %sign3A_242 : i1 to i32
      %sign3A_244 = arith.constant 0 : i32
      %sign3A_245 = arith.cmpi slt, %jit3A_232, %sign3A_244 : i32
      %sign3A_246 = arith.extui %sign3A_245 : i1 to i32
      %sign3A_247 = arith.subi %sign3A_243, %sign3A_246 : i32
      %ne3A_248 = arith.cmpi ne, %sign3A_240, %sign3A_247 : i32
      %rem3A_249 = arith.remsi %add3A_231, %jit3A_232 : i32
      %ne3A_250 = arith.constant 0 : i32
      %ne3A_251 = arith.cmpi ne, %rem3A_249, %ne3A_250 : i32
      %and3A_252 = arith.andi %ne3A_248, %ne3A_251 : i1
      %sub3A_253 = arith.constant 1 : i32
      %sub3A_254 = arith.subi %div3A_233, %sub3A_253 : i32
      %select_n3A_255 = arith.select %and3A_252, %sub3A_254, %div3A_233 : i32
      %mul3A_256 = arith.constant 1 : i32
      %mul3A_257 = arith.muli %select_n3A_255, %mul3A_256 : i32
      %sub3A_258 = arith.subi %add3A_231, %mul3A_257 : i32
      %mul3A_259 = arith.constant 2 : i32
      %mul3A_260 = arith.muli %select_n3A_255, %mul3A_259 : i32
      %add3A_261 = arith.addi %mul3A_4, %mul3A_260 : i32
      %mul3A_262 = arith.constant 8192 : i32
      %mul3A_263 = arith.muli %sub3A_258, %mul3A_262 : i32
      %dma_wait3A_264 = tpu.memref_slice %arg2[%add3A_261, %mul3A_263] : memref<4096x8192xf32, #tpu.memory_space<hbm>> -> memref<2x8192xf32, #tpu.memory_space<hbm>>
      %dma_wait3A_265 = tpu.memref_slice %arg2[%add3A_261, %mul3A_263] : memref<4096x8192xf32, #tpu.memory_space<hbm>> -> memref<2x8192xf32, #tpu.memory_space<hbm>>
      tpu.wait_dma2 semaphore(%arg15 : memref<!tpu.dma_semaphore, #tpu.memory_space<semaphore_mem>>) src(%dma_wait3A_265 : memref<2x8192xf32, #tpu.memory_space<hbm>>) dst(%arg11 : memref<2x8192xf32, #tpu.memory_space<vmem>>)
      %parallel_loop3A_266 = arith.constant 0 : i32
      %parallel_loop3A_267 = arith.constant 512 : i32
      %parallel_loop3A_268 = arith.constant 1 : i32
      scf.for %parallel_loop3A_379 = %parallel_loop3A_266 to %parallel_loop3A_267 step %parallel_loop3A_268  : i32 {
        %parallel_loop3A_380 = arith.constant 16 : i32
        %parallel_loop3A_381 = arith.muli %parallel_loop3A_379, %parallel_loop3A_380 : i32
        %parallel_loop3A_382 = arith.constant 0 : i32
        %parallel_loop3A_383 = arith.index_cast %parallel_loop3A_382 : i32 to index
        %parallel_loop3A_384 = arith.index_cast %parallel_loop3A_381 : i32 to index
        %parallel_loop3A_385 = tpu.vector_load %arg11[%parallel_loop3A_383, %parallel_loop3A_384] {strides = array<i32>} : memref<2x8192xf32, #tpu.memory_space<vmem>>, vector<16xf32>,
        %parallel_loop3A_386 = arith.constant -5.000000e+00 : f32
        %parallel_loop3A_387 = vector.broadcast %parallel_loop3A_386 : f32 to vector<16xf32>
        %parallel_loop3A_388 = arith.maximumf %parallel_loop3A_385, %parallel_loop3A_387 : vector<16xf32>
        %parallel_loop3A_389 = arith.constant 5.000000e+00 : f32
        %parallel_loop3A_390 = vector.broadcast %parallel_loop3A_389 : f32 to vector<16xf32>
        %parallel_loop3A_391 = arith.minimumf %parallel_loop3A_388, %parallel_loop3A_390 : vector<16xf32>
        %parallel_loop3A_392 = arith.constant -5.000000e+00 : f32
        %parallel_loop3A_393 = vector.broadcast %parallel_loop3A_392 : f32 to vector<16xf32>
        %parallel_loop3A_394 = arith.subf %parallel_loop3A_391, %parallel_loop3A_393 : vector<16xf32>
        %parallel_loop3A_395 = vector.broadcast %scan3A : f32 to vector<16xf32>
        %parallel_loop3A_396 = arith.mulf %parallel_loop3A_394, %parallel_loop3A_395 : vector<16xf32>
        %parallel_loop3A_397 = arith.fptosi %parallel_loop3A_396 : vector<16xf32> to vector<16xi32>
        %parallel_loop3A_398 = arith.sitofp %parallel_loop3A_397 : vector<16xi32> to vector<16xf32>
        %parallel_loop3A_399 = arith.subf %parallel_loop3A_396, %parallel_loop3A_398 : vector<16xf32>
        %parallel_loop3A_400 = tpu.vector_load_idx %arg6[%parallel_loop3A_397] : memref<32xf32, #tpu.memory_space<vmem>>[vector<16xi32>], vector<16xf32>,
        %parallel_loop3A_401 = tpu.vector_load_idx %arg7[%parallel_loop3A_397] : memref<32xf32, #tpu.memory_space<vmem>>[vector<16xi32>], vector<16xf32>,
        %parallel_loop3A_402 = tpu.vector_load_idx %arg8[%parallel_loop3A_397] : memref<32xf32, #tpu.memory_space<vmem>>[vector<16xi32>], vector<16xf32>,
        %parallel_loop3A_403 = tpu.vector_load_idx %arg9[%parallel_loop3A_397] : memref<32xf32, #tpu.memory_space<vmem>>[vector<16xi32>], vector<16xf32>,
        %parallel_loop3A_404 = arith.mulf %parallel_loop3A_400, %parallel_loop3A_399 : vector<16xf32>
        %parallel_loop3A_405 = arith.addf %parallel_loop3A_404, %parallel_loop3A_401 : vector<16xf32>
        %parallel_loop3A_406 = arith.mulf %parallel_loop3A_405, %parallel_loop3A_399 : vector<16xf32>
        %parallel_loop3A_407 = arith.addf %parallel_loop3A_406, %parallel_loop3A_402 : vector<16xf32>
        %parallel_loop3A_408 = arith.mulf %parallel_loop3A_407, %parallel_loop3A_399 : vector<16xf32>
        %parallel_loop3A_409 = arith.addf %parallel_loop3A_408, %parallel_loop3A_403 : vector<16xf32>
        %parallel_loop3A_410 = arith.constant 0 : i32
        %parallel_loop3A_411 = arith.index_cast %parallel_loop3A_410 : i32 to index
        %parallel_loop3A_412 = arith.index_cast %parallel_loop3A_381 : i32 to index
        %parallel_loop3A_413 = tpu.vector_load %arg11[%parallel_loop3A_411, %parallel_loop3A_412] {strides = array<i32>} : memref<2x8192xf32, #tpu.memory_space<vmem>>, vector<16xf32>,
        tpu.vector_store %arg11[%parallel_loop3A_411, %parallel_loop3A_412], %parallel_loop3A_409 {strides = array<i32>} : memref<2x8192xf32, #tpu.memory_space<vmem>>, vector<16xf32>,
        %parallel_loop3A_414 = arith.constant 1 : i32
        %parallel_loop3A_415 = arith.index_cast %parallel_loop3A_414 : i32 to index
        %parallel_loop3A_416 = arith.index_cast %parallel_loop3A_381 : i32 to index
        %parallel_loop3A_417 = tpu.vector_load %arg11[%parallel_loop3A_415, %parallel_loop3A_416] {strides = array<i32>} : memref<2x8192xf32, #tpu.memory_space<vmem>>, vector<16xf32>,
        %parallel_loop3A_418 = arith.constant -5.000000e+00 : f32
        %parallel_loop3A_419 = vector.broadcast %parallel_loop3A_418 : f32 to vector<16xf32>
        %parallel_loop3A_420 = arith.maximumf %parallel_loop3A_417, %parallel_loop3A_419 : vector<16xf32>
        %parallel_loop3A_421 = arith.constant 5.000000e+00 : f32
        %parallel_loop3A_422 = vector.broadcast %parallel_loop3A_421 : f32 to vector<16xf32>
        %parallel_loop3A_423 = arith.minimumf %parallel_loop3A_420, %parallel_loop3A_422 : vector<16xf32>
        %parallel_loop3A_424 = arith.constant -5.000000e+00 : f32
        %parallel_loop3A_425 = vector.broadcast %parallel_loop3A_424 : f32 to vector<16xf32>
        %parallel_loop3A_426 = arith.subf %parallel_loop3A_423, %parallel_loop3A_425 : vector<16xf32>
        %parallel_loop3A_427 = vector.broadcast %scan3A : f32 to vector<16xf32>
        %parallel_loop3A_428 = arith.mulf %parallel_loop3A_426, %parallel_loop3A_427 : vector<16xf32>
        %parallel_loop3A_429 = arith.fptosi %parallel_loop3A_428 : vector<16xf32> to vector<16xi32>
        %parallel_loop3A_430 = arith.sitofp %parallel_loop3A_429 : vector<16xi32> to vector<16xf32>
        %parallel_loop3A_431 = arith.subf %parallel_loop3A_428, %parallel_loop3A_430 : vector<16xf32>
        %parallel_loop3A_432 = tpu.vector_load_idx %arg6[%parallel_loop3A_429] : memref<32xf32, #tpu.memory_space<vmem>>[vector<16xi32>], vector<16xf32>,
        %parallel_loop3A_433 = tpu.vector_load_idx %arg7[%parallel_loop3A_429] : memref<32xf32, #tpu.memory_space<vmem>>[vector<16xi32>], vector<16xf32>,
        %parallel_loop3A_434 = tpu.vector_load_idx %arg8[%parallel_loop3A_429] : memref<32xf32, #tpu.memory_space<vmem>>[vector<16xi32>], vector<16xf32>,
        %parallel_loop3A_435 = tpu.vector_load_idx %arg9[%parallel_loop3A_429] : memref<32xf32, #tpu.memory_space<vmem>>[vector<16xi32>], vector<16xf32>,
        %parallel_loop3A_436 = arith.mulf %parallel_loop3A_432, %parallel_loop3A_431 : vector<16xf32>
        %parallel_loop3A_437 = arith.addf %parallel_loop3A_436, %parallel_loop3A_433 : vector<16xf32>
        %parallel_loop3A_438 = arith.mulf %parallel_loop3A_437, %parallel_loop3A_431 : vector<16xf32>
        %parallel_loop3A_439 = arith.addf %parallel_loop3A_438, %parallel_loop3A_434 : vector<16xf32>
        %parallel_loop3A_440 = arith.mulf %parallel_loop3A_439, %parallel_loop3A_431 : vector<16xf32>
        %parallel_loop3A_441 = arith.addf %parallel_loop3A_440, %parallel_loop3A_435 : vector<16xf32>
        %parallel_loop3A_442 = arith.constant 1 : i32
        %parallel_loop3A_443 = arith.index_cast %parallel_loop3A_442 : i32 to index
        %parallel_loop3A_444 = arith.index_cast %parallel_loop3A_381 : i32 to index
        %parallel_loop3A_445 = tpu.vector_load %arg11[%parallel_loop3A_443, %parallel_loop3A_444] {strides = array<i32>} : memref<2x8192xf32, #tpu.memory_space<vmem>>, vector<16xf32>,
        tpu.vector_store %arg11[%parallel_loop3A_443, %parallel_loop3A_444], %parallel_loop3A_441 {strides = array<i32>} : memref<2x8192xf32, #tpu.memory_space<vmem>>, vector<16xf32>,
      } {sc.loop_unroll_factor = 2 : i64, sc.parallel_access}
      %dma_start3A_269 = tpu.memref_slice %arg4[%add3A_261, %mul3A_263] : memref<4096x8192xf32, #tpu.memory_space<hbm>> -> memref<2x8192xf32, #tpu.memory_space<hbm>>
      %dma_start3A_270 = tpu.memref_slice %arg4[%add3A_261, %mul3A_263] : memref<4096x8192xf32, #tpu.memory_space<hbm>> -> memref<2x8192xf32, #tpu.memory_space<hbm>>
      tpu.enqueue_dma source(%arg11 : memref<2x8192xf32, #tpu.memory_space<vmem>>) target(%dma_start3A_270 : memref<2x8192xf32, #tpu.memory_space<hbm>>) target_semaphore(%arg19 : memref<!tpu.dma_semaphore, #tpu.memory_space<semaphore_mem>>)
      %add3A_271 = arith.constant 2 : i32
      %add3A_272 = arith.addi %add3A_231, %add3A_271 : i32
      %lt3A_273 = arith.constant 64 : i32
      %lt3A_274 = arith.cmpi slt, %add3A_272, %lt3A_273 : i32
      %convert_element_type3A_275 = arith.extui %lt3A_274 : i1 to i32
      %cond3A_276 = arith.constant 0 : i32
      %cond3A_277 = arith.cmpi ne, %convert_element_type3A_275, %cond3A_276 : i32
      scf.if %cond3A_277 {
        %ge3A = arith.constant 2 : i32
        %ge3A_379 = arith.cmpi sge, %add3A_231, %ge3A : i32
        %convert_element_type3A_380 = arith.extui %ge3A_379 : i1 to i32
        %cond3A_381 = arith.constant 0 : i32
        %cond3A_382 = arith.cmpi ne, %convert_element_type3A_380, %cond3A_381 : i32
        scf.if %cond3A_382 {
          %sub3A_419 = arith.constant 2 : i32
          %sub3A_420 = arith.subi %add3A_231, %sub3A_419 : i32
          %jit3A_421 = arith.constant 1 : i32
          %div3A_422 = arith.divsi %sub3A_420, %jit3A_421 : i32
          %sign3A_423 = arith.constant 0 : i32
          %sign3A_424 = arith.cmpi sgt, %sub3A_420, %sign3A_423 : i32
          %sign3A_425 = arith.extui %sign3A_424 : i1 to i32
          %sign3A_426 = arith.constant 0 : i32
          %sign3A_427 = arith.cmpi slt, %sub3A_420, %sign3A_426 : i32
          %sign3A_428 = arith.extui %sign3A_427 : i1 to i32
          %sign3A_429 = arith.subi %sign3A_425, %sign3A_428 : i32
          %sign3A_430 = arith.constant 0 : i32
          %sign3A_431 = arith.cmpi sgt, %jit3A_421, %sign3A_430 : i32
          %sign3A_432 = arith.extui %sign3A_431 : i1 to i32
          %sign3A_433 = arith.constant 0 : i32
          %sign3A_434 = arith.cmpi slt, %jit3A_421, %sign3A_433 : i32
          %sign3A_435 = arith.extui %sign3A_434 : i1 to i32
          %sign3A_436 = arith.subi %sign3A_432, %sign3A_435 : i32
          %ne3A_437 = arith.cmpi ne, %sign3A_429, %sign3A_436 : i32
          %rem3A_438 = arith.remsi %sub3A_420, %jit3A_421 : i32
          %ne3A_439 = arith.constant 0 : i32
          %ne3A_440 = arith.cmpi ne, %rem3A_438, %ne3A_439 : i32
          %and3A_441 = arith.andi %ne3A_437, %ne3A_440 : i1
          %sub3A_442 = arith.constant 1 : i32
          %sub3A_443 = arith.subi %div3A_422, %sub3A_442 : i32
          %select_n3A_444 = arith.select %and3A_441, %sub3A_443, %div3A_422 : i32
          %mul3A_445 = arith.constant 1 : i32
          %mul3A_446 = arith.muli %select_n3A_444, %mul3A_445 : i32
          %sub3A_447 = arith.subi %sub3A_420, %mul3A_446 : i32
          %mul3A_448 = arith.constant 2 : i32
          %mul3A_449 = arith.muli %select_n3A_444, %mul3A_448 : i32
          %add3A_450 = arith.addi %mul3A_4, %mul3A_449 : i32
          %mul3A_451 = arith.constant 8192 : i32
          %mul3A_452 = arith.muli %sub3A_447, %mul3A_451 : i32
          %dma_wait3A_453 = tpu.memref_slice %arg4[%add3A_450, %mul3A_452] : memref<4096x8192xf32, #tpu.memory_space<hbm>> -> memref<2x8192xf32, #tpu.memory_space<hbm>>
          %dma_wait3A_454 = tpu.memref_slice %arg4[%add3A_450, %mul3A_452] : memref<4096x8192xf32, #tpu.memory_space<hbm>> -> memref<2x8192xf32, #tpu.memory_space<hbm>>
          tpu.wait_dma2 semaphore(%arg21 : memref<!tpu.dma_semaphore, #tpu.memory_space<semaphore_mem>>) src(%arg13 : memref<2x8192xf32, #tpu.memory_space<vmem>>) dst(%dma_wait3A_454 : memref<2x8192xf32, #tpu.memory_space<hbm>>)
        } else {
        }
        %add3A_383 = arith.constant 2 : i32
        %add3A_384 = arith.addi %add3A_231, %add3A_383 : i32
        %jit3A_385 = arith.constant 1 : i32
        %div3A_386 = arith.divsi %add3A_384, %jit3A_385 : i32
        %sign3A_387 = arith.constant 0 : i32
        %sign3A_388 = arith.cmpi sgt, %add3A_384, %sign3A_387 : i32
        %sign3A_389 = arith.extui %sign3A_388 : i1 to i32
        %sign3A_390 = arith.constant 0 : i32
        %sign3A_391 = arith.cmpi slt, %add3A_384, %sign3A_390 : i32
        %sign3A_392 = arith.extui %sign3A_391 : i1 to i32
        %sign3A_393 = arith.subi %sign3A_389, %sign3A_392 : i32
        %sign3A_394 = arith.constant 0 : i32
        %sign3A_395 = arith.cmpi sgt, %jit3A_385, %sign3A_394 : i32
        %sign3A_396 = arith.extui %sign3A_395 : i1 to i32
        %sign3A_397 = arith.constant 0 : i32
        %sign3A_398 = arith.cmpi slt, %jit3A_385, %sign3A_397 : i32
        %sign3A_399 = arith.extui %sign3A_398 : i1 to i32
        %sign3A_400 = arith.subi %sign3A_396, %sign3A_399 : i32
        %ne3A_401 = arith.cmpi ne, %sign3A_393, %sign3A_400 : i32
        %rem3A_402 = arith.remsi %add3A_384, %jit3A_385 : i32
        %ne3A_403 = arith.constant 0 : i32
        %ne3A_404 = arith.cmpi ne, %rem3A_402, %ne3A_403 : i32
        %and3A_405 = arith.andi %ne3A_401, %ne3A_404 : i1
        %sub3A_406 = arith.constant 1 : i32
        %sub3A_407 = arith.subi %div3A_386, %sub3A_406 : i32
        %select_n3A_408 = arith.select %and3A_405, %sub3A_407, %div3A_386 : i32
        %mul3A_409 = arith.constant 1 : i32
        %mul3A_410 = arith.muli %select_n3A_408, %mul3A_409 : i32
        %sub3A_411 = arith.subi %add3A_384, %mul3A_410 : i32
        %mul3A_412 = arith.constant 2 : i32
        %mul3A_413 = arith.muli %select_n3A_408, %mul3A_412 : i32
        %add3A_414 = arith.addi %mul3A_4, %mul3A_413 : i32
        %mul3A_415 = arith.constant 8192 : i32
        %mul3A_416 = arith.muli %sub3A_411, %mul3A_415 : i32
        %dma_start3A_417 = tpu.memref_slice %arg2[%add3A_414, %mul3A_416] : memref<4096x8192xf32, #tpu.memory_space<hbm>> -> memref<2x8192xf32, #tpu.memory_space<hbm>>
        %dma_start3A_418 = tpu.memref_slice %arg2[%add3A_414, %mul3A_416] : memref<4096x8192xf32, #tpu.memory_space<hbm>> -> memref<2x8192xf32, #tpu.memory_space<hbm>>
        tpu.enqueue_dma source(%dma_start3A_418 : memref<2x8192xf32, #tpu.memory_space<hbm>>) target(%arg13 : memref<2x8192xf32, #tpu.memory_space<vmem>>) target_semaphore(%arg17 : memref<!tpu.dma_semaphore, #tpu.memory_space<semaphore_mem>>)
      } else {
      }
      %mul3A_278 = arith.constant 4 : i32
      %mul3A_279 = arith.muli %scan3A_186, %mul3A_278 : i32
      %add3A_280 = arith.constant 2 : i32
      %add3A_281 = arith.addi %mul3A_279, %add3A_280 : i32
      %jit3A_282 = arith.constant 1 : i32
      %div3A_283 = arith.divsi %add3A_281, %jit3A_282 : i32
      %sign3A_284 = arith.constant 0 : i32
      %sign3A_285 = arith.cmpi sgt, %add3A_281, %sign3A_284 : i32
      %sign3A_286 = arith.extui %sign3A_285 : i1 to i32
      %sign3A_287 = arith.constant 0 : i32
      %sign3A_288 = arith.cmpi slt, %add3A_281, %sign3A_287 : i32
      %sign3A_289 = arith.extui %sign3A_288 : i1 to i32
      %sign3A_290 = arith.subi %sign3A_286, %sign3A_289 : i32
      %sign3A_291 = arith.constant 0 : i32
      %sign3A_292 = arith.cmpi sgt, %jit3A_282, %sign3A_291 : i32
      %sign3A_293 = arith.extui %sign3A_292 : i1 to i32
      %sign3A_294 = arith.constant 0 : i32
      %sign3A_295 = arith.cmpi slt, %jit3A_282, %sign3A_294 : i32
      %sign3A_296 = arith.extui %sign3A_295 : i1 to i32
      %sign3A_297 = arith.subi %sign3A_293, %sign3A_296 : i32
      %ne3A_298 = arith.cmpi ne, %sign3A_290, %sign3A_297 : i32
      %rem3A_299 = arith.remsi %add3A_281, %jit3A_282 : i32
      %ne3A_300 = arith.constant 0 : i32
      %ne3A_301 = arith.cmpi ne, %rem3A_299, %ne3A_300 : i32
      %and3A_302 = arith.andi %ne3A_298, %ne3A_301 : i1
      %sub3A_303 = arith.constant 1 : i32
      %sub3A_304 = arith.subi %div3A_283, %sub3A_303 : i32
      %select_n3A_305 = arith.select %and3A_302, %sub3A_304, %div3A_283 : i32
      %mul3A_306 = arith.constant 1 : i32
      %mul3A_307 = arith.muli %select_n3A_305, %mul3A_306 : i32
      %sub3A_308 = arith.subi %add3A_281, %mul3A_307 : i32
      %mul3A_309 = arith.constant 2 : i32
      %mul3A_310 = arith.muli %select_n3A_305, %mul3A_309 : i32
      %add3A_311 = arith.addi %mul3A_4, %mul3A_310 : i32
      %mul3A_312 = arith.constant 8192 : i32
      %mul3A_313 = arith.muli %sub3A_308, %mul3A_312 : i32
      %dma_wait3A_314 = tpu.memref_slice %arg2[%add3A_311, %mul3A_313] : memref<4096x8192xf32, #tpu.memory_space<hbm>> -> memref<2x8192xf32, #tpu.memory_space<hbm>>
      %dma_wait3A_315 = tpu.memref_slice %arg2[%add3A_311, %mul3A_313] : memref<4096x8192xf32, #tpu.memory_space<hbm>> -> memref<2x8192xf32, #tpu.memory_space<hbm>>
      tpu.wait_dma2 semaphore(%arg16 : memref<!tpu.dma_semaphore, #tpu.memory_space<semaphore_mem>>) src(%dma_wait3A_315 : memref<2x8192xf32, #tpu.memory_space<hbm>>) dst(%arg12 : memref<2x8192xf32, #tpu.memory_space<vmem>>)
      %parallel_loop3A_316 = arith.constant 0 : i32
      %parallel_loop3A_317 = arith.constant 512 : i32
      %parallel_loop3A_318 = arith.constant 1 : i32
      scf.for %parallel_loop3A_379 = %parallel_loop3A_316 to %parallel_loop3A_317 step %parallel_loop3A_318  : i32 {
        %parallel_loop3A_380 = arith.constant 16 : i32
        %parallel_loop3A_381 = arith.muli %parallel_loop3A_379, %parallel_loop3A_380 : i32
        %parallel_loop3A_382 = arith.constant 0 : i32
        %parallel_loop3A_383 = arith.index_cast %parallel_loop3A_382 : i32 to index
        %parallel_loop3A_384 = arith.index_cast %parallel_loop3A_381 : i32 to index
        %parallel_loop3A_385 = tpu.vector_load %arg12[%parallel_loop3A_383, %parallel_loop3A_384] {strides = array<i32>} : memref<2x8192xf32, #tpu.memory_space<vmem>>, vector<16xf32>,
        %parallel_loop3A_386 = arith.constant -5.000000e+00 : f32
        %parallel_loop3A_387 = vector.broadcast %parallel_loop3A_386 : f32 to vector<16xf32>
        %parallel_loop3A_388 = arith.maximumf %parallel_loop3A_385, %parallel_loop3A_387 : vector<16xf32>
        %parallel_loop3A_389 = arith.constant 5.000000e+00 : f32
        %parallel_loop3A_390 = vector.broadcast %parallel_loop3A_389 : f32 to vector<16xf32>
        %parallel_loop3A_391 = arith.minimumf %parallel_loop3A_388, %parallel_loop3A_390 : vector<16xf32>
        %parallel_loop3A_392 = arith.constant -5.000000e+00 : f32
        %parallel_loop3A_393 = vector.broadcast %parallel_loop3A_392 : f32 to vector<16xf32>
        %parallel_loop3A_394 = arith.subf %parallel_loop3A_391, %parallel_loop3A_393 : vector<16xf32>
        %parallel_loop3A_395 = vector.broadcast %scan3A : f32 to vector<16xf32>
        %parallel_loop3A_396 = arith.mulf %parallel_loop3A_394, %parallel_loop3A_395 : vector<16xf32>
        %parallel_loop3A_397 = arith.fptosi %parallel_loop3A_396 : vector<16xf32> to vector<16xi32>
        %parallel_loop3A_398 = arith.sitofp %parallel_loop3A_397 : vector<16xi32> to vector<16xf32>
        %parallel_loop3A_399 = arith.subf %parallel_loop3A_396, %parallel_loop3A_398 : vector<16xf32>
        %parallel_loop3A_400 = tpu.vector_load_idx %arg6[%parallel_loop3A_397] : memref<32xf32, #tpu.memory_space<vmem>>[vector<16xi32>], vector<16xf32>,
        %parallel_loop3A_401 = tpu.vector_load_idx %arg7[%parallel_loop3A_397] : memref<32xf32, #tpu.memory_space<vmem>>[vector<16xi32>], vector<16xf32>,
        %parallel_loop3A_402 = tpu.vector_load_idx %arg8[%parallel_loop3A_397] : memref<32xf32, #tpu.memory_space<vmem>>[vector<16xi32>], vector<16xf32>,
        %parallel_loop3A_403 = tpu.vector_load_idx %arg9[%parallel_loop3A_397] : memref<32xf32, #tpu.memory_space<vmem>>[vector<16xi32>], vector<16xf32>,
        %parallel_loop3A_404 = arith.mulf %parallel_loop3A_400, %parallel_loop3A_399 : vector<16xf32>
        %parallel_loop3A_405 = arith.addf %parallel_loop3A_404, %parallel_loop3A_401 : vector<16xf32>
        %parallel_loop3A_406 = arith.mulf %parallel_loop3A_405, %parallel_loop3A_399 : vector<16xf32>
        %parallel_loop3A_407 = arith.addf %parallel_loop3A_406, %parallel_loop3A_402 : vector<16xf32>
        %parallel_loop3A_408 = arith.mulf %parallel_loop3A_407, %parallel_loop3A_399 : vector<16xf32>
        %parallel_loop3A_409 = arith.addf %parallel_loop3A_408, %parallel_loop3A_403 : vector<16xf32>
        %parallel_loop3A_410 = arith.constant 0 : i32
        %parallel_loop3A_411 = arith.index_cast %parallel_loop3A_410 : i32 to index
        %parallel_loop3A_412 = arith.index_cast %parallel_loop3A_381 : i32 to index
        %parallel_loop3A_413 = tpu.vector_load %arg12[%parallel_loop3A_411, %parallel_loop3A_412] {strides = array<i32>} : memref<2x8192xf32, #tpu.memory_space<vmem>>, vector<16xf32>,
        tpu.vector_store %arg12[%parallel_loop3A_411, %parallel_loop3A_412], %parallel_loop3A_409 {strides = array<i32>} : memref<2x8192xf32, #tpu.memory_space<vmem>>, vector<16xf32>,
        %parallel_loop3A_414 = arith.constant 1 : i32
        %parallel_loop3A_415 = arith.index_cast %parallel_loop3A_414 : i32 to index
        %parallel_loop3A_416 = arith.index_cast %parallel_loop3A_381 : i32 to index
        %parallel_loop3A_417 = tpu.vector_load %arg12[%parallel_loop3A_415, %parallel_loop3A_416] {strides = array<i32>} : memref<2x8192xf32, #tpu.memory_space<vmem>>, vector<16xf32>,
        %parallel_loop3A_418 = arith.constant -5.000000e+00 : f32
        %parallel_loop3A_419 = vector.broadcast %parallel_loop3A_418 : f32 to vector<16xf32>
        %parallel_loop3A_420 = arith.maximumf %parallel_loop3A_417, %parallel_loop3A_419 : vector<16xf32>
        %parallel_loop3A_421 = arith.constant 5.000000e+00 : f32
        %parallel_loop3A_422 = vector.broadcast %parallel_loop3A_421 : f32 to vector<16xf32>
        %parallel_loop3A_423 = arith.minimumf %parallel_loop3A_420, %parallel_loop3A_422 : vector<16xf32>
        %parallel_loop3A_424 = arith.constant -5.000000e+00 : f32
        %parallel_loop3A_425 = vector.broadcast %parallel_loop3A_424 : f32 to vector<16xf32>
        %parallel_loop3A_426 = arith.subf %parallel_loop3A_423, %parallel_loop3A_425 : vector<16xf32>
        %parallel_loop3A_427 = vector.broadcast %scan3A : f32 to vector<16xf32>
        %parallel_loop3A_428 = arith.mulf %parallel_loop3A_426, %parallel_loop3A_427 : vector<16xf32>
        %parallel_loop3A_429 = arith.fptosi %parallel_loop3A_428 : vector<16xf32> to vector<16xi32>
        %parallel_loop3A_430 = arith.sitofp %parallel_loop3A_429 : vector<16xi32> to vector<16xf32>
        %parallel_loop3A_431 = arith.subf %parallel_loop3A_428, %parallel_loop3A_430 : vector<16xf32>
        %parallel_loop3A_432 = tpu.vector_load_idx %arg6[%parallel_loop3A_429] : memref<32xf32, #tpu.memory_space<vmem>>[vector<16xi32>], vector<16xf32>,
        %parallel_loop3A_433 = tpu.vector_load_idx %arg7[%parallel_loop3A_429] : memref<32xf32, #tpu.memory_space<vmem>>[vector<16xi32>], vector<16xf32>,
        %parallel_loop3A_434 = tpu.vector_load_idx %arg8[%parallel_loop3A_429] : memref<32xf32, #tpu.memory_space<vmem>>[vector<16xi32>], vector<16xf32>,
        %parallel_loop3A_435 = tpu.vector_load_idx %arg9[%parallel_loop3A_429] : memref<32xf32, #tpu.memory_space<vmem>>[vector<16xi32>], vector<16xf32>,
        %parallel_loop3A_436 = arith.mulf %parallel_loop3A_432, %parallel_loop3A_431 : vector<16xf32>
        %parallel_loop3A_437 = arith.addf %parallel_loop3A_436, %parallel_loop3A_433 : vector<16xf32>
        %parallel_loop3A_438 = arith.mulf %parallel_loop3A_437, %parallel_loop3A_431 : vector<16xf32>
        %parallel_loop3A_439 = arith.addf %parallel_loop3A_438, %parallel_loop3A_434 : vector<16xf32>
        %parallel_loop3A_440 = arith.mulf %parallel_loop3A_439, %parallel_loop3A_431 : vector<16xf32>
        %parallel_loop3A_441 = arith.addf %parallel_loop3A_440, %parallel_loop3A_435 : vector<16xf32>
        %parallel_loop3A_442 = arith.constant 1 : i32
        %parallel_loop3A_443 = arith.index_cast %parallel_loop3A_442 : i32 to index
        %parallel_loop3A_444 = arith.index_cast %parallel_loop3A_381 : i32 to index
        %parallel_loop3A_445 = tpu.vector_load %arg12[%parallel_loop3A_443, %parallel_loop3A_444] {strides = array<i32>} : memref<2x8192xf32, #tpu.memory_space<vmem>>, vector<16xf32>,
        tpu.vector_store %arg12[%parallel_loop3A_443, %parallel_loop3A_444], %parallel_loop3A_441 {strides = array<i32>} : memref<2x8192xf32, #tpu.memory_space<vmem>>, vector<16xf32>,
      } {sc.loop_unroll_factor = 2 : i64, sc.parallel_access}
      %dma_start3A_319 = tpu.memref_slice %arg4[%add3A_311, %mul3A_313] : memref<4096x8192xf32, #tpu.memory_space<hbm>> -> memref<2x8192xf32, #tpu.memory_space<hbm>>
      %dma_start3A_320 = tpu.memref_slice %arg4[%add3A_311, %mul3A_313] : memref<4096x8192xf32, #tpu.memory_space<hbm>> -> memref<2x8192xf32, #tpu.memory_space<hbm>>
      tpu.enqueue_dma source(%arg12 : memref<2x8192xf32, #tpu.memory_space<vmem>>) target(%dma_start3A_320 : memref<2x8192xf32, #tpu.memory_space<hbm>>) target_semaphore(%arg20 : memref<!tpu.dma_semaphore, #tpu.memory_space<semaphore_mem>>)
      %add3A_321 = arith.constant 2 : i32
      %add3A_322 = arith.addi %add3A_281, %add3A_321 : i32
      %lt3A_323 = arith.constant 64 : i32
      %lt3A_324 = arith.cmpi slt, %add3A_322, %lt3A_323 : i32
      %convert_element_type3A_325 = arith.extui %lt3A_324 : i1 to i32
      %cond3A_326 = arith.constant 0 : i32
      %cond3A_327 = arith.cmpi ne, %convert_element_type3A_325, %cond3A_326 : i32
      scf.if %cond3A_327 {
        %ge3A = arith.constant 2 : i32
        %ge3A_379 = arith.cmpi sge, %add3A_281, %ge3A : i32
        %convert_element_type3A_380 = arith.extui %ge3A_379 : i1 to i32
        %cond3A_381 = arith.constant 0 : i32
        %cond3A_382 = arith.cmpi ne, %convert_element_type3A_380, %cond3A_381 : i32
        scf.if %cond3A_382 {
          %sub3A_419 = arith.constant 2 : i32
          %sub3A_420 = arith.subi %add3A_281, %sub3A_419 : i32
          %jit3A_421 = arith.constant 1 : i32
          %div3A_422 = arith.divsi %sub3A_420, %jit3A_421 : i32
          %sign3A_423 = arith.constant 0 : i32
          %sign3A_424 = arith.cmpi sgt, %sub3A_420, %sign3A_423 : i32
          %sign3A_425 = arith.extui %sign3A_424 : i1 to i32
          %sign3A_426 = arith.constant 0 : i32
          %sign3A_427 = arith.cmpi slt, %sub3A_420, %sign3A_426 : i32
          %sign3A_428 = arith.extui %sign3A_427 : i1 to i32
          %sign3A_429 = arith.subi %sign3A_425, %sign3A_428 : i32
          %sign3A_430 = arith.constant 0 : i32
          %sign3A_431 = arith.cmpi sgt, %jit3A_421, %sign3A_430 : i32
          %sign3A_432 = arith.extui %sign3A_431 : i1 to i32
          %sign3A_433 = arith.constant 0 : i32
          %sign3A_434 = arith.cmpi slt, %jit3A_421, %sign3A_433 : i32
          %sign3A_435 = arith.extui %sign3A_434 : i1 to i32
          %sign3A_436 = arith.subi %sign3A_432, %sign3A_435 : i32
          %ne3A_437 = arith.cmpi ne, %sign3A_429, %sign3A_436 : i32
          %rem3A_438 = arith.remsi %sub3A_420, %jit3A_421 : i32
          %ne3A_439 = arith.constant 0 : i32
          %ne3A_440 = arith.cmpi ne, %rem3A_438, %ne3A_439 : i32
          %and3A_441 = arith.andi %ne3A_437, %ne3A_440 : i1
          %sub3A_442 = arith.constant 1 : i32
          %sub3A_443 = arith.subi %div3A_422, %sub3A_442 : i32
          %select_n3A_444 = arith.select %and3A_441, %sub3A_443, %div3A_422 : i32
          %mul3A_445 = arith.constant 1 : i32
          %mul3A_446 = arith.muli %select_n3A_444, %mul3A_445 : i32
          %sub3A_447 = arith.subi %sub3A_420, %mul3A_446 : i32
          %mul3A_448 = arith.constant 2 : i32
          %mul3A_449 = arith.muli %select_n3A_444, %mul3A_448 : i32
          %add3A_450 = arith.addi %mul3A_4, %mul3A_449 : i32
          %mul3A_451 = arith.constant 8192 : i32
          %mul3A_452 = arith.muli %sub3A_447, %mul3A_451 : i32
          %dma_wait3A_453 = tpu.memref_slice %arg4[%add3A_450, %mul3A_452] : memref<4096x8192xf32, #tpu.memory_space<hbm>> -> memref<2x8192xf32, #tpu.memory_space<hbm>>
          %dma_wait3A_454 = tpu.memref_slice %arg4[%add3A_450, %mul3A_452] : memref<4096x8192xf32, #tpu.memory_space<hbm>> -> memref<2x8192xf32, #tpu.memory_space<hbm>>
          tpu.wait_dma2 semaphore(%arg18 : memref<!tpu.dma_semaphore, #tpu.memory_space<semaphore_mem>>) src(%arg10 : memref<2x8192xf32, #tpu.memory_space<vmem>>) dst(%dma_wait3A_454 : memref<2x8192xf32, #tpu.memory_space<hbm>>)
        } else {
        }
        %add3A_383 = arith.constant 2 : i32
        %add3A_384 = arith.addi %add3A_281, %add3A_383 : i32
        %jit3A_385 = arith.constant 1 : i32
        %div3A_386 = arith.divsi %add3A_384, %jit3A_385 : i32
        %sign3A_387 = arith.constant 0 : i32
        %sign3A_388 = arith.cmpi sgt, %add3A_384, %sign3A_387 : i32
        %sign3A_389 = arith.extui %sign3A_388 : i1 to i32
        %sign3A_390 = arith.constant 0 : i32
        %sign3A_391 = arith.cmpi slt, %add3A_384, %sign3A_390 : i32
        %sign3A_392 = arith.extui %sign3A_391 : i1 to i32
        %sign3A_393 = arith.subi %sign3A_389, %sign3A_392 : i32
        %sign3A_394 = arith.constant 0 : i32
        %sign3A_395 = arith.cmpi sgt, %jit3A_385, %sign3A_394 : i32
        %sign3A_396 = arith.extui %sign3A_395 : i1 to i32
        %sign3A_397 = arith.constant 0 : i32
        %sign3A_398 = arith.cmpi slt, %jit3A_385, %sign3A_397 : i32
        %sign3A_399 = arith.extui %sign3A_398 : i1 to i32
        %sign3A_400 = arith.subi %sign3A_396, %sign3A_399 : i32
        %ne3A_401 = arith.cmpi ne, %sign3A_393, %sign3A_400 : i32
        %rem3A_402 = arith.remsi %add3A_384, %jit3A_385 : i32
        %ne3A_403 = arith.constant 0 : i32
        %ne3A_404 = arith.cmpi ne, %rem3A_402, %ne3A_403 : i32
        %and3A_405 = arith.andi %ne3A_401, %ne3A_404 : i1
        %sub3A_406 = arith.constant 1 : i32
        %sub3A_407 = arith.subi %div3A_386, %sub3A_406 : i32
        %select_n3A_408 = arith.select %and3A_405, %sub3A_407, %div3A_386 : i32
        %mul3A_409 = arith.constant 1 : i32
        %mul3A_410 = arith.muli %select_n3A_408, %mul3A_409 : i32
        %sub3A_411 = arith.subi %add3A_384, %mul3A_410 : i32
        %mul3A_412 = arith.constant 2 : i32
        %mul3A_413 = arith.muli %select_n3A_408, %mul3A_412 : i32
        %add3A_414 = arith.addi %mul3A_4, %mul3A_413 : i32
        %mul3A_415 = arith.constant 8192 : i32
        %mul3A_416 = arith.muli %sub3A_411, %mul3A_415 : i32
        %dma_start3A_417 = tpu.memref_slice %arg2[%add3A_414, %mul3A_416] : memref<4096x8192xf32, #tpu.memory_space<hbm>> -> memref<2x8192xf32, #tpu.memory_space<hbm>>
        %dma_start3A_418 = tpu.memref_slice %arg2[%add3A_414, %mul3A_416] : memref<4096x8192xf32, #tpu.memory_space<hbm>> -> memref<2x8192xf32, #tpu.memory_space<hbm>>
        tpu.enqueue_dma source(%dma_start3A_418 : memref<2x8192xf32, #tpu.memory_space<hbm>>) target(%arg10 : memref<2x8192xf32, #tpu.memory_space<vmem>>) target_semaphore(%arg14 : memref<!tpu.dma_semaphore, #tpu.memory_space<semaphore_mem>>)
      } else {
      }
      %mul3A_328 = arith.constant 4 : i32
      %mul3A_329 = arith.muli %scan3A_186, %mul3A_328 : i32
      %add3A_330 = arith.constant 3 : i32
      %add3A_331 = arith.addi %mul3A_329, %add3A_330 : i32
      %jit3A_332 = arith.constant 1 : i32
      %div3A_333 = arith.divsi %add3A_331, %jit3A_332 : i32
      %sign3A_334 = arith.constant 0 : i32
      %sign3A_335 = arith.cmpi sgt, %add3A_331, %sign3A_334 : i32
      %sign3A_336 = arith.extui %sign3A_335 : i1 to i32
      %sign3A_337 = arith.constant 0 : i32
      %sign3A_338 = arith.cmpi slt, %add3A_331, %sign3A_337 : i32
      %sign3A_339 = arith.extui %sign3A_338 : i1 to i32
      %sign3A_340 = arith.subi %sign3A_336, %sign3A_339 : i32
      %sign3A_341 = arith.constant 0 : i32
      %sign3A_342 = arith.cmpi sgt, %jit3A_332, %sign3A_341 : i32
      %sign3A_343 = arith.extui %sign3A_342 : i1 to i32
      %sign3A_344 = arith.constant 0 : i32
      %sign3A_345 = arith.cmpi slt, %jit3A_332, %sign3A_344 : i32
      %sign3A_346 = arith.extui %sign3A_345 : i1 to i32
      %sign3A_347 = arith.subi %sign3A_343, %sign3A_346 : i32
      %ne3A_348 = arith.cmpi ne, %sign3A_340, %sign3A_347 : i32
      %rem3A_349 = arith.remsi %add3A_331, %jit3A_332 : i32
      %ne3A_350 = arith.constant 0 : i32
      %ne3A_351 = arith.cmpi ne, %rem3A_349, %ne3A_350 : i32
      %and3A_352 = arith.andi %ne3A_348, %ne3A_351 : i1
      %sub3A_353 = arith.constant 1 : i32
      %sub3A_354 = arith.subi %div3A_333, %sub3A_353 : i32
      %select_n3A_355 = arith.select %and3A_352, %sub3A_354, %div3A_333 : i32
      %mul3A_356 = arith.constant 1 : i32
      %mul3A_357 = arith.muli %select_n3A_355, %mul3A_356 : i32
      %sub3A_358 = arith.subi %add3A_331, %mul3A_357 : i32
      %mul3A_359 = arith.constant 2 : i32
      %mul3A_360 = arith.muli %select_n3A_355, %mul3A_359 : i32
      %add3A_361 = arith.addi %mul3A_4, %mul3A_360 : i32
      %mul3A_362 = arith.constant 8192 : i32
      %mul3A_363 = arith.muli %sub3A_358, %mul3A_362 : i32
      %dma_wait3A_364 = tpu.memref_slice %arg2[%add3A_361, %mul3A_363] : memref<4096x8192xf32, #tpu.memory_space<hbm>> -> memref<2x8192xf32, #tpu.memory_space<hbm>>
      %dma_wait3A_365 = tpu.memref_slice %arg2[%add3A_361, %mul3A_363] : memref<4096x8192xf32, #tpu.memory_space<hbm>> -> memref<2x8192xf32, #tpu.memory_space<hbm>>
      tpu.wait_dma2 semaphore(%arg17 : memref<!tpu.dma_semaphore, #tpu.memory_space<semaphore_mem>>) src(%dma_wait3A_365 : memref<2x8192xf32, #tpu.memory_space<hbm>>) dst(%arg13 : memref<2x8192xf32, #tpu.memory_space<vmem>>)
      %parallel_loop3A_366 = arith.constant 0 : i32
      %parallel_loop3A_367 = arith.constant 512 : i32
      %parallel_loop3A_368 = arith.constant 1 : i32
      scf.for %parallel_loop3A_379 = %parallel_loop3A_366 to %parallel_loop3A_367 step %parallel_loop3A_368  : i32 {
        %parallel_loop3A_380 = arith.constant 16 : i32
        %parallel_loop3A_381 = arith.muli %parallel_loop3A_379, %parallel_loop3A_380 : i32
        %parallel_loop3A_382 = arith.constant 0 : i32
        %parallel_loop3A_383 = arith.index_cast %parallel_loop3A_382 : i32 to index
        %parallel_loop3A_384 = arith.index_cast %parallel_loop3A_381 : i32 to index
        %parallel_loop3A_385 = tpu.vector_load %arg13[%parallel_loop3A_383, %parallel_loop3A_384] {strides = array<i32>} : memref<2x8192xf32, #tpu.memory_space<vmem>>, vector<16xf32>,
        %parallel_loop3A_386 = arith.constant -5.000000e+00 : f32
        %parallel_loop3A_387 = vector.broadcast %parallel_loop3A_386 : f32 to vector<16xf32>
        %parallel_loop3A_388 = arith.maximumf %parallel_loop3A_385, %parallel_loop3A_387 : vector<16xf32>
        %parallel_loop3A_389 = arith.constant 5.000000e+00 : f32
        %parallel_loop3A_390 = vector.broadcast %parallel_loop3A_389 : f32 to vector<16xf32>
        %parallel_loop3A_391 = arith.minimumf %parallel_loop3A_388, %parallel_loop3A_390 : vector<16xf32>
        %parallel_loop3A_392 = arith.constant -5.000000e+00 : f32
        %parallel_loop3A_393 = vector.broadcast %parallel_loop3A_392 : f32 to vector<16xf32>
        %parallel_loop3A_394 = arith.subf %parallel_loop3A_391, %parallel_loop3A_393 : vector<16xf32>
        %parallel_loop3A_395 = vector.broadcast %scan3A : f32 to vector<16xf32>
        %parallel_loop3A_396 = arith.mulf %parallel_loop3A_394, %parallel_loop3A_395 : vector<16xf32>
        %parallel_loop3A_397 = arith.fptosi %parallel_loop3A_396 : vector<16xf32> to vector<16xi32>
        %parallel_loop3A_398 = arith.sitofp %parallel_loop3A_397 : vector<16xi32> to vector<16xf32>
        %parallel_loop3A_399 = arith.subf %parallel_loop3A_396, %parallel_loop3A_398 : vector<16xf32>
        %parallel_loop3A_400 = tpu.vector_load_idx %arg6[%parallel_loop3A_397] : memref<32xf32, #tpu.memory_space<vmem>>[vector<16xi32>], vector<16xf32>,
        %parallel_loop3A_401 = tpu.vector_load_idx %arg7[%parallel_loop3A_397] : memref<32xf32, #tpu.memory_space<vmem>>[vector<16xi32>], vector<16xf32>,
        %parallel_loop3A_402 = tpu.vector_load_idx %arg8[%parallel_loop3A_397] : memref<32xf32, #tpu.memory_space<vmem>>[vector<16xi32>], vector<16xf32>,
        %parallel_loop3A_403 = tpu.vector_load_idx %arg9[%parallel_loop3A_397] : memref<32xf32, #tpu.memory_space<vmem>>[vector<16xi32>], vector<16xf32>,
        %parallel_loop3A_404 = arith.mulf %parallel_loop3A_400, %parallel_loop3A_399 : vector<16xf32>
        %parallel_loop3A_405 = arith.addf %parallel_loop3A_404, %parallel_loop3A_401 : vector<16xf32>
        %parallel_loop3A_406 = arith.mulf %parallel_loop3A_405, %parallel_loop3A_399 : vector<16xf32>
        %parallel_loop3A_407 = arith.addf %parallel_loop3A_406, %parallel_loop3A_402 : vector<16xf32>
        %parallel_loop3A_408 = arith.mulf %parallel_loop3A_407, %parallel_loop3A_399 : vector<16xf32>
        %parallel_loop3A_409 = arith.addf %parallel_loop3A_408, %parallel_loop3A_403 : vector<16xf32>
        %parallel_loop3A_410 = arith.constant 0 : i32
        %parallel_loop3A_411 = arith.index_cast %parallel_loop3A_410 : i32 to index
        %parallel_loop3A_412 = arith.index_cast %parallel_loop3A_381 : i32 to index
        %parallel_loop3A_413 = tpu.vector_load %arg13[%parallel_loop3A_411, %parallel_loop3A_412] {strides = array<i32>} : memref<2x8192xf32, #tpu.memory_space<vmem>>, vector<16xf32>,
        tpu.vector_store %arg13[%parallel_loop3A_411, %parallel_loop3A_412], %parallel_loop3A_409 {strides = array<i32>} : memref<2x8192xf32, #tpu.memory_space<vmem>>, vector<16xf32>,
        %parallel_loop3A_414 = arith.constant 1 : i32
        %parallel_loop3A_415 = arith.index_cast %parallel_loop3A_414 : i32 to index
        %parallel_loop3A_416 = arith.index_cast %parallel_loop3A_381 : i32 to index
        %parallel_loop3A_417 = tpu.vector_load %arg13[%parallel_loop3A_415, %parallel_loop3A_416] {strides = array<i32>} : memref<2x8192xf32, #tpu.memory_space<vmem>>, vector<16xf32>,
        %parallel_loop3A_418 = arith.constant -5.000000e+00 : f32
        %parallel_loop3A_419 = vector.broadcast %parallel_loop3A_418 : f32 to vector<16xf32>
        %parallel_loop3A_420 = arith.maximumf %parallel_loop3A_417, %parallel_loop3A_419 : vector<16xf32>
        %parallel_loop3A_421 = arith.constant 5.000000e+00 : f32
        %parallel_loop3A_422 = vector.broadcast %parallel_loop3A_421 : f32 to vector<16xf32>
        %parallel_loop3A_423 = arith.minimumf %parallel_loop3A_420, %parallel_loop3A_422 : vector<16xf32>
        %parallel_loop3A_424 = arith.constant -5.000000e+00 : f32
        %parallel_loop3A_425 = vector.broadcast %parallel_loop3A_424 : f32 to vector<16xf32>
        %parallel_loop3A_426 = arith.subf %parallel_loop3A_423, %parallel_loop3A_425 : vector<16xf32>
        %parallel_loop3A_427 = vector.broadcast %scan3A : f32 to vector<16xf32>
        %parallel_loop3A_428 = arith.mulf %parallel_loop3A_426, %parallel_loop3A_427 : vector<16xf32>
        %parallel_loop3A_429 = arith.fptosi %parallel_loop3A_428 : vector<16xf32> to vector<16xi32>
        %parallel_loop3A_430 = arith.sitofp %parallel_loop3A_429 : vector<16xi32> to vector<16xf32>
        %parallel_loop3A_431 = arith.subf %parallel_loop3A_428, %parallel_loop3A_430 : vector<16xf32>
        %parallel_loop3A_432 = tpu.vector_load_idx %arg6[%parallel_loop3A_429] : memref<32xf32, #tpu.memory_space<vmem>>[vector<16xi32>], vector<16xf32>,
        %parallel_loop3A_433 = tpu.vector_load_idx %arg7[%parallel_loop3A_429] : memref<32xf32, #tpu.memory_space<vmem>>[vector<16xi32>], vector<16xf32>,
        %parallel_loop3A_434 = tpu.vector_load_idx %arg8[%parallel_loop3A_429] : memref<32xf32, #tpu.memory_space<vmem>>[vector<16xi32>], vector<16xf32>,
        %parallel_loop3A_435 = tpu.vector_load_idx %arg9[%parallel_loop3A_429] : memref<32xf32, #tpu.memory_space<vmem>>[vector<16xi32>], vector<16xf32>,
        %parallel_loop3A_436 = arith.mulf %parallel_loop3A_432, %parallel_loop3A_431 : vector<16xf32>
        %parallel_loop3A_437 = arith.addf %parallel_loop3A_436, %parallel_loop3A_433 : vector<16xf32>
        %parallel_loop3A_438 = arith.mulf %parallel_loop3A_437, %parallel_loop3A_431 : vector<16xf32>
        %parallel_loop3A_439 = arith.addf %parallel_loop3A_438, %parallel_loop3A_434 : vector<16xf32>
        %parallel_loop3A_440 = arith.mulf %parallel_loop3A_439, %parallel_loop3A_431 : vector<16xf32>
        %parallel_loop3A_441 = arith.addf %parallel_loop3A_440, %parallel_loop3A_435 : vector<16xf32>
        %parallel_loop3A_442 = arith.constant 1 : i32
        %parallel_loop3A_443 = arith.index_cast %parallel_loop3A_442 : i32 to index
        %parallel_loop3A_444 = arith.index_cast %parallel_loop3A_381 : i32 to index
        %parallel_loop3A_445 = tpu.vector_load %arg13[%parallel_loop3A_443, %parallel_loop3A_444] {strides = array<i32>} : memref<2x8192xf32, #tpu.memory_space<vmem>>, vector<16xf32>,
        tpu.vector_store %arg13[%parallel_loop3A_443, %parallel_loop3A_444], %parallel_loop3A_441 {strides = array<i32>} : memref<2x8192xf32, #tpu.memory_space<vmem>>, vector<16xf32>,
      } {sc.loop_unroll_factor = 2 : i64, sc.parallel_access}
      %dma_start3A_369 = tpu.memref_slice %arg4[%add3A_361, %mul3A_363] : memref<4096x8192xf32, #tpu.memory_space<hbm>> -> memref<2x8192xf32, #tpu.memory_space<hbm>>
      %dma_start3A_370 = tpu.memref_slice %arg4[%add3A_361, %mul3A_363] : memref<4096x8192xf32, #tpu.memory_space<hbm>> -> memref<2x8192xf32, #tpu.memory_space<hbm>>
      tpu.enqueue_dma source(%arg13 : memref<2x8192xf32, #tpu.memory_space<vmem>>) target(%dma_start3A_370 : memref<2x8192xf32, #tpu.memory_space<hbm>>) target_semaphore(%arg21 : memref<!tpu.dma_semaphore, #tpu.memory_space<semaphore_mem>>)
      %add3A_371 = arith.constant 2 : i32
      %add3A_372 = arith.addi %add3A_331, %add3A_371 : i32
      %lt3A_373 = arith.constant 64 : i32
      %lt3A_374 = arith.cmpi slt, %add3A_372, %lt3A_373 : i32
      %convert_element_type3A_375 = arith.extui %lt3A_374 : i1 to i32
      %cond3A_376 = arith.constant 0 : i32
      %cond3A_377 = arith.cmpi ne, %convert_element_type3A_375, %cond3A_376 : i32
      scf.if %cond3A_377 {
        %ge3A = arith.constant 2 : i32
        %ge3A_379 = arith.cmpi sge, %add3A_331, %ge3A : i32
        %convert_element_type3A_380 = arith.extui %ge3A_379 : i1 to i32
        %cond3A_381 = arith.constant 0 : i32
        %cond3A_382 = arith.cmpi ne, %convert_element_type3A_380, %cond3A_381 : i32
        scf.if %cond3A_382 {
          %sub3A_419 = arith.constant 2 : i32
          %sub3A_420 = arith.subi %add3A_331, %sub3A_419 : i32
          %jit3A_421 = arith.constant 1 : i32
          %div3A_422 = arith.divsi %sub3A_420, %jit3A_421 : i32
          %sign3A_423 = arith.constant 0 : i32
          %sign3A_424 = arith.cmpi sgt, %sub3A_420, %sign3A_423 : i32
          %sign3A_425 = arith.extui %sign3A_424 : i1 to i32
          %sign3A_426 = arith.constant 0 : i32
          %sign3A_427 = arith.cmpi slt, %sub3A_420, %sign3A_426 : i32
          %sign3A_428 = arith.extui %sign3A_427 : i1 to i32
          %sign3A_429 = arith.subi %sign3A_425, %sign3A_428 : i32
          %sign3A_430 = arith.constant 0 : i32
          %sign3A_431 = arith.cmpi sgt, %jit3A_421, %sign3A_430 : i32
          %sign3A_432 = arith.extui %sign3A_431 : i1 to i32
          %sign3A_433 = arith.constant 0 : i32
          %sign3A_434 = arith.cmpi slt, %jit3A_421, %sign3A_433 : i32
          %sign3A_435 = arith.extui %sign3A_434 : i1 to i32
          %sign3A_436 = arith.subi %sign3A_432, %sign3A_435 : i32
          %ne3A_437 = arith.cmpi ne, %sign3A_429, %sign3A_436 : i32
          %rem3A_438 = arith.remsi %sub3A_420, %jit3A_421 : i32
          %ne3A_439 = arith.constant 0 : i32
          %ne3A_440 = arith.cmpi ne, %rem3A_438, %ne3A_439 : i32
          %and3A_441 = arith.andi %ne3A_437, %ne3A_440 : i1
          %sub3A_442 = arith.constant 1 : i32
          %sub3A_443 = arith.subi %div3A_422, %sub3A_442 : i32
          %select_n3A_444 = arith.select %and3A_441, %sub3A_443, %div3A_422 : i32
          %mul3A_445 = arith.constant 1 : i32
          %mul3A_446 = arith.muli %select_n3A_444, %mul3A_445 : i32
          %sub3A_447 = arith.subi %sub3A_420, %mul3A_446 : i32
          %mul3A_448 = arith.constant 2 : i32
          %mul3A_449 = arith.muli %select_n3A_444, %mul3A_448 : i32
          %add3A_450 = arith.addi %mul3A_4, %mul3A_449 : i32
          %mul3A_451 = arith.constant 8192 : i32
          %mul3A_452 = arith.muli %sub3A_447, %mul3A_451 : i32
          %dma_wait3A_453 = tpu.memref_slice %arg4[%add3A_450, %mul3A_452] : memref<4096x8192xf32, #tpu.memory_space<hbm>> -> memref<2x8192xf32, #tpu.memory_space<hbm>>
          %dma_wait3A_454 = tpu.memref_slice %arg4[%add3A_450, %mul3A_452] : memref<4096x8192xf32, #tpu.memory_space<hbm>> -> memref<2x8192xf32, #tpu.memory_space<hbm>>
          tpu.wait_dma2 semaphore(%arg19 : memref<!tpu.dma_semaphore, #tpu.memory_space<semaphore_mem>>) src(%arg11 : memref<2x8192xf32, #tpu.memory_space<vmem>>) dst(%dma_wait3A_454 : memref<2x8192xf32, #tpu.memory_space<hbm>>)
        } else {
        }
        %add3A_383 = arith.constant 2 : i32
        %add3A_384 = arith.addi %add3A_331, %add3A_383 : i32
        %jit3A_385 = arith.constant 1 : i32
        %div3A_386 = arith.divsi %add3A_384, %jit3A_385 : i32
        %sign3A_387 = arith.constant 0 : i32
        %sign3A_388 = arith.cmpi sgt, %add3A_384, %sign3A_387 : i32
        %sign3A_389 = arith.extui %sign3A_388 : i1 to i32
        %sign3A_390 = arith.constant 0 : i32
        %sign3A_391 = arith.cmpi slt, %add3A_384, %sign3A_390 : i32
        %sign3A_392 = arith.extui %sign3A_391 : i1 to i32
        %sign3A_393 = arith.subi %sign3A_389, %sign3A_392 : i32
        %sign3A_394 = arith.constant 0 : i32
        %sign3A_395 = arith.cmpi sgt, %jit3A_385, %sign3A_394 : i32
        %sign3A_396 = arith.extui %sign3A_395 : i1 to i32
        %sign3A_397 = arith.constant 0 : i32
        %sign3A_398 = arith.cmpi slt, %jit3A_385, %sign3A_397 : i32
        %sign3A_399 = arith.extui %sign3A_398 : i1 to i32
        %sign3A_400 = arith.subi %sign3A_396, %sign3A_399 : i32
        %ne3A_401 = arith.cmpi ne, %sign3A_393, %sign3A_400 : i32
        %rem3A_402 = arith.remsi %add3A_384, %jit3A_385 : i32
        %ne3A_403 = arith.constant 0 : i32
        %ne3A_404 = arith.cmpi ne, %rem3A_402, %ne3A_403 : i32
        %and3A_405 = arith.andi %ne3A_401, %ne3A_404 : i1
        %sub3A_406 = arith.constant 1 : i32
        %sub3A_407 = arith.subi %div3A_386, %sub3A_406 : i32
        %select_n3A_408 = arith.select %and3A_405, %sub3A_407, %div3A_386 : i32
        %mul3A_409 = arith.constant 1 : i32
        %mul3A_410 = arith.muli %select_n3A_408, %mul3A_409 : i32
        %sub3A_411 = arith.subi %add3A_384, %mul3A_410 : i32
        %mul3A_412 = arith.constant 2 : i32
        %mul3A_413 = arith.muli %select_n3A_408, %mul3A_412 : i32
        %add3A_414 = arith.addi %mul3A_4, %mul3A_413 : i32
        %mul3A_415 = arith.constant 8192 : i32
        %mul3A_416 = arith.muli %sub3A_411, %mul3A_415 : i32
        %dma_start3A_417 = tpu.memref_slice %arg2[%add3A_414, %mul3A_416] : memref<4096x8192xf32, #tpu.memory_space<hbm>> -> memref<2x8192xf32, #tpu.memory_space<hbm>>
        %dma_start3A_418 = tpu.memref_slice %arg2[%add3A_414, %mul3A_416] : memref<4096x8192xf32, #tpu.memory_space<hbm>> -> memref<2x8192xf32, #tpu.memory_space<hbm>>
        tpu.enqueue_dma source(%dma_start3A_418 : memref<2x8192xf32, #tpu.memory_space<hbm>>) target(%arg11 : memref<2x8192xf32, #tpu.memory_space<vmem>>) target_semaphore(%arg15 : memref<!tpu.dma_semaphore, #tpu.memory_space<semaphore_mem>>)
      } else {
      }
      %scan3A_378 = arith.constant 0 : i32
      scf.yield %scan3A_378 : i32
    }
    %scan3A_162 = arith.constant 16 : i32
    %add3A_163 = arith.constant 120 : i32
    %add3A_164 = arith.addi %mul3A_4, %add3A_163 : i32
    %dma_wait3A = arith.constant 0 : i32
    %dma_wait3A_165 = tpu.memref_slice %arg4[%add3A_164, %dma_wait3A] : memref<4096x8192xf32, #tpu.memory_space<hbm>> -> memref<2x8192xf32, #tpu.memory_space<hbm>>
    %dma_wait3A_166 = arith.constant 0 : i32
    %dma_wait3A_167 = tpu.memref_slice %arg4[%add3A_164, %dma_wait3A_166] : memref<4096x8192xf32, #tpu.memory_space<hbm>> -> memref<2x8192xf32, #tpu.memory_space<hbm>>
    tpu.wait_dma2 semaphore(%arg18 : memref<!tpu.dma_semaphore, #tpu.memory_space<semaphore_mem>>) src(%arg10 : memref<2x8192xf32, #tpu.memory_space<vmem>>) dst(%dma_wait3A_167 : memref<2x8192xf32, #tpu.memory_space<hbm>>)
    %add3A_168 = arith.constant 122 : i32
    %add3A_169 = arith.addi %mul3A_4, %add3A_168 : i32
    %dma_wait3A_170 = arith.constant 0 : i32
    %dma_wait3A_171 = tpu.memref_slice %arg4[%add3A_169, %dma_wait3A_170] : memref<4096x8192xf32, #tpu.memory_space<hbm>> -> memref<2x8192xf32, #tpu.memory_space<hbm>>
    %dma_wait3A_172 = arith.constant 0 : i32
    %dma_wait3A_173 = tpu.memref_slice %arg4[%add3A_169, %dma_wait3A_172] : memref<4096x8192xf32, #tpu.memory_space<hbm>> -> memref<2x8192xf32, #tpu.memory_space<hbm>>
    tpu.wait_dma2 semaphore(%arg19 : memref<!tpu.dma_semaphore, #tpu.memory_space<semaphore_mem>>) src(%arg11 : memref<2x8192xf32, #tpu.memory_space<vmem>>) dst(%dma_wait3A_173 : memref<2x8192xf32, #tpu.memory_space<hbm>>)
    %add3A_174 = arith.constant 124 : i32
    %add3A_175 = arith.addi %mul3A_4, %add3A_174 : i32
    %dma_wait3A_176 = arith.constant 0 : i32
    %dma_wait3A_177 = tpu.memref_slice %arg4[%add3A_175, %dma_wait3A_176] : memref<4096x8192xf32, #tpu.memory_space<hbm>> -> memref<2x8192xf32, #tpu.memory_space<hbm>>
    %dma_wait3A_178 = arith.constant 0 : i32
    %dma_wait3A_179 = tpu.memref_slice %arg4[%add3A_175, %dma_wait3A_178] : memref<4096x8192xf32, #tpu.memory_space<hbm>> -> memref<2x8192xf32, #tpu.memory_space<hbm>>
    tpu.wait_dma2 semaphore(%arg20 : memref<!tpu.dma_semaphore, #tpu.memory_space<semaphore_mem>>) src(%arg12 : memref<2x8192xf32, #tpu.memory_space<vmem>>) dst(%dma_wait3A_179 : memref<2x8192xf32, #tpu.memory_space<hbm>>)
    %add3A_180 = arith.constant 126 : i32
    %add3A_181 = arith.addi %mul3A_4, %add3A_180 : i32
    %dma_wait3A_182 = arith.constant 0 : i32
    %dma_wait3A_183 = tpu.memref_slice %arg4[%add3A_181, %dma_wait3A_182] : memref<4096x8192xf32, #tpu.memory_space<hbm>> -> memref<2x8192xf32, #tpu.memory_space<hbm>>
    %dma_wait3A_184 = arith.constant 0 : i32
    %dma_wait3A_185 = tpu.memref_slice %arg4[%add3A_181, %dma_wait3A_184] : memref<4096x8192xf32, #tpu.memory_space<hbm>> -> memref<2x8192xf32, #tpu.memory_space<hbm>>
    tpu.wait_dma2 semaphore(%arg21 : memref<!tpu.dma_semaphore, #tpu.memory_space<semaphore_mem>>) src(%arg13 : memref<2x8192xf32, #tpu.memory_space<vmem>>) dst(%dma_wait3A_185 : memref<2x8192xf32, #tpu.memory_space<hbm>>)
    return
  }
}

</mosaic_0001>

<sc_bundles>
// kernel: kernel.3.cloned.1.call-start
scs
__scs_entry_jumppad:
0x0: {  	(pc) =	sbr.rel $0x88, $3  }
0x1: {  	(tag) =	ssettag $0x0;
	lr =	simm.s32 $0x1  }
0x2: {  	[smem:$0x3F9F] =	sst lr;
	_ =	strace $0xD0000000  }
0x3: {  	_ = 	snop  }
0x4: {  	_ = 	snop  }
0x5: {  	_ = 	snop  }
0x6: {  	_ = 	snop  }
0x7: {  	_ = 	snop  }
__scs_overlays_trampoline_lowered:
0x8: {  	[smem:$0x3FAE] =	sst s0  }
0x9: {  	[smem:$0x3FAF] =	sst s1  }
0xa: {  	[smem:$0x3FB0] =	sst s2  }
0xb: {  	[smem:$0x3FB1] =	sst s3  }
0xc: {  	[smem:$0x3FB2] =	sst s4  }
0xd: {  	[smem:$0x3FB3] =	sst s5  }
0xe: {  	[smem:$0x3FB4] =	sst s6  }
0xf: {  	[smem:$0x3FB5] =	sst s7  }
0x10: {  	[smem:$0x3FB6] =	sst s8  }
0x11: {  	[smem:$0x3FB7] =	sst s9;
	s0 =	simm.s32 @!p0 $0x0  }
0x12: {  	s1 =	sld [smem:$0x3F9D];
	s0 =	simm.s32 @p0 $0x1  }
0x13: {  	[smem:$0x3FB8] =	sst s0;
	s0 =	simm.s32 @!p1 $0x0  }
0x14: {  	s2 =	sld [smem:$0x3F9C];
	s0 =	simm.s32 @p1 $0x1  }
0x15: {  	[smem:$0x3FB9] =	sst s0;
	s0 =	simm.s32 @!p2 $0x0  }
0x16: {  	s3 =	sld [smem:$0x3FDB];
	s0 =	simm.s32 @p2 $0x1  }
0x17: {  	s4 =	simm.s32 $0x1BF5;
	[smem:$0x3FBB] =	sst s0  }
0x18: {  	s0 =	sld [smem:$0x3F9E];
	_ =	swait.ge [sflag:s4], $0x0  }
0x19: {  	s7 =	sld [smem:$0x3F9F]  }
0x1a: {  	s8 =	sadd.s32 $0xFFFFE003, lr  }
0x1b: {  	s9 =	sadd.s32 $0xFFFFFEF7, lr;
	s5 =	simm.s32 $0xFFFFFFFF;
	p2 =	slt.u32 s8, $0xFFFFF086  }
0x1c: {  	p1 =	slt.u32 s9, $0xF7A;
	s5 =	simm.s32 @!p2 $0x0  }
0x1d: {  	s5 =	simm.s32 @p1 $0x1;
	p0 =	seq.s32 s7, s2  }
0x1e: {  	s7 =	smul.u32 @!p0 $0xF7A, s2;
	p2 =	seq.s32 @!p0 s5, $0x0  }
0x1f: {  	s9 =	smul.u32 $0xF7A, s1;
	s8 =	simm.s32 @!p0 $0x1BF5;
	p2 =	por !p2, p0  }
0x20: {  	[sflag:s8] =	ssyncset.s32 @!p0 $0xFFFFF086;
	s6 =	sadd.s32 @!p0 s3, s7;
	s7 =	simm.s32 @!p0 $0x108  }
0x21: {  	s3 =	sadd.s32 s3, s9;
	s6 =	sadd.s32 @!p0 $0x88, s6;
	s7 =	simm.s32 @p2 $0x1082  }
0x22: {  	[simem:s7], [sflag:s8] =	dma.local @!p0 [hbm:s6], $0xF7A  }
0x23: {  	s9 =	sor.u32 $0xD0000000, s2;
	s6 =	simm.s32 $0x108;
	_ =	swait.ge @!p0 [sflag:s8], $0x0  }
0x24: {  	s3 =	sadd.s32 $0x88, s3;
	s6 =	simm.s32 @!p1 $0x1082;
	[sflag:s4] =	ssyncset.s32 $0xFFFFF086  }
0x25: {  	[simem:s6], [sflag:s4] =	dma.local [hbm:s3], $0xF7A  }
0x26: {  	[smem:$0x3F9F] =	sst s1;
	(tag) =	ssettag s2;
	_ =	strace s9  }
0x27: {  	s1 =	sld [smem:$0x3FAF]  }
0x28: {  	s2 =	sld [smem:$0x3FB0]  }
0x29: {  	s4 =	sld [smem:$0x3FB2]  }
0x2a: {  	p0 =	seq.s32 s5, $0x0;
	s5 =	sld [smem:$0x3FB3]  }
0x2b: {  	s6 =	sld [smem:$0x3FB4]  }
0x2c: {  	s7 =	sld [smem:$0x3FB5]  }
0x2d: {  	s3 =	simm.s32 $0x108;
	s8 =	sld [smem:$0x3FB6]  }
0x2e: {  	s3 =	simm.s32 @!p0 $0x1082;
	s9 =	sld [smem:$0x3FB7]  }
0x2f: {  	lr =	sadd.s32 s0, s3;
	s0 =	sld [smem:$0x3FAE]  }
0x30: {  	s3 =	sld [smem:$0x3FB1]  }
0x31: {  	[smem:$0x3FBA] =	sst s10  }
0x32: {  	s10 =	sld [smem:$0x3FB8];
	_ =	sdelay $0x3  }
0x33: {  	p0 =	seq.s32 s10, $0x1;
	s10 =	sld [smem:$0x3FBA];
	_ =	sdelay $0x3  }
0x34: {  	[smem:$0x3FBA] =	sst s10  }
0x35: {  	s10 =	sld [smem:$0x3FB9];
	_ =	sdelay $0x3  }
0x36: {  	p1 =	seq.s32 s10, $0x1;
	s10 =	sld [smem:$0x3FBA];
	_ =	sdelay $0x3  }
0x37: {  	[smem:$0x3FBA] =	sst s10  }
0x38: {  	s10 =	sld [smem:$0x3FBB]  }
0x39: {  	_ = 	snop;
	(pc) =	sbr.ind lr, $3  }
0x3a: {  	_ = 	snop  }
0x3b: {  	_ = 	snop  }
0x3c: {  	p2 =	seq.s32 s10, $0x1;
	s10 =	sld [smem:$0x3FBA]  }
0x3d: {  	_ =	shalt  }
0x3e: {  	_ =	shalt  }
0x3f: {  	_ =	shalt  }
0x40: {  	_ =	shalt  }
0x41: {  	_ =	shalt  }
0x42: {  	_ =	shalt  }
0x43: {  	_ =	shalt  }
0x44: {  	_ =	shalt  }
0x45: {  	_ =	shalt  }
0x46: {  	_ =	shalt  }
0x47: {  	_ =	shalt  }
0x48: {  	_ =	shalt  }
0x49: {  	_ =	shalt  }
0x4a: {  	_ =	shalt  }
0x4b: {  	_ =	shalt  }
0x4c: {  	_ =	shalt  }
0x4d: {  	_ =	shalt  }
0x4e: {  	_ =	shalt  }
0x4f: {  	_ =	shalt  }
0x50: {  	_ =	shalt  }
0x51: {  	_ =	shalt  }
0x52: {  	_ =	shalt  }
0x53: {  	_ =	shalt  }
0x54: {  	_ =	shalt  }
0x55: {  	_ =	shalt  }
0x56: {  	_ =	shalt  }
0x57: {  	_ =	shalt  }
0x58: {  	_ =	shalt  }
0x59: {  	_ =	shalt  }
0x5a: {  	_ =	shalt  }
0x5b: {  	_ =	shalt  }
0x5c: {  	_ =	shalt  }
0x5d: {  	_ =	shalt  }
0x5e: {  	_ =	shalt  }
0x5f: {  	_ =	shalt  }
0x60: {  	_ =	shalt  }
0x61: {  	_ =	shalt  }
0x62: {  	_ =	shalt  }
0x63: {  	_ =	shalt  }
0x64: {  	_ =	shalt  }
0x65: {  	_ =	shalt  }
0x66: {  	_ =	shalt  }
0x67: {  	_ =	shalt  }
0x68: {  	_ =	shalt  }
0x69: {  	_ =	shalt  }
0x6a: {  	_ =	shalt  }
0x6b: {  	_ =	shalt  }
0x6c: {  	_ =	shalt  }
0x6d: {  	_ =	shalt  }
0x6e: {  	_ =	shalt  }
0x6f: {  	_ =	shalt  }
0x70: {  	_ =	shalt  }
0x71: {  	_ =	shalt  }
0x72: {  	_ =	shalt  }
0x73: {  	_ =	shalt  }
0x74: {  	_ =	shalt  }
0x75: {  	_ =	shalt  }
0x76: {  	_ =	shalt  }
0x77: {  	_ =	shalt  }
0x78: {  	_ =	shalt  }
0x79: {  	_ =	shalt  }
0x7a: {  	_ =	shalt  }
0x7b: {  	_ =	shalt  }
0x7c: {  	_ =	shalt  }
0x7d: {  	_ =	shalt  }
0x7e: {  	_ =	shalt  }
0x7f: {  	_ =	shalt  }
0x80: {  	_ =	shalt  }
0x81: {  	_ =	shalt  }
0x82: {  	_ =	shalt  }
0x83: {  	_ =	shalt  }
0x84: {  	_ =	shalt  }
0x85: {  	_ =	shalt  }
0x86: {  	_ =	shalt  }
0x87: {  	_ =	shalt  }
.Lfunc_end0:
.L_simem_size_0:
called_computation_lowered:
.L_overlay_start_0:
0x88: {  	s2 =	sld [smem:$0x3FD9]  }
0x89: {  	s3 =	sld [smem:$0x3FFE];
	_ =	sdelay $0x1  }
0x8a: {  	s1 =	srdreg.scid  }
0x8b: {  	s0 =	sand.u32 $0x1, s1  }
0x8c: {  	s17 =	sshll.u32 s0, $0xA;
	s2 =	sadd.s32 s3, s2  }
0x8d: {  	s2 =	sadd.s32 s2, s17  }
0x8e: {  	[smem:$0x3FC6] =	sst s2  }
0x8f: {  	_ = 	snop  }
0x90: {  	s2 =	sld [smem:$0x3FC9]  }
0x91: {  	s18 =	sld [smem:$0x3FD0];
	(tm) =	ssettm $0x1  }
0x92: {  	s4 =	sld [smem:$0x3FFB];
	_ =	sdelay $0x3  }
0x93: {  	_ =	strace s4  }
0x94: {  	s4 =	sld [smem:$0x3FFC];
	_ =	sdelay $0x3  }
0x95: {  	_ =	strace s4  }
0x96: {  	s4 =	sld [smem:$0x3FFD];
	_ =	sdelay $0x3  }
0x97: {  	_ =	strace s4  }
0x98: {  	_ =	strace $0x8FFFFFFF  }
0x99: {  	s19 =	sld [smem:$0x3FDB];
	_ =	sdelay $0x1  }
0x9a: {  	s5 =	simm.s32 $_scs_section_size  }
0x9b: {  	s6 =	simm.s32 $_size__tile_overlayer_lowered;
	s7 =	simm.s32 $_tile_overlayer_lowered  }
0x9c: {  	s22 =	simm.s32 $0x1BFF;
	s21 =	sshll.u32 s7, $0x1;
	s4 =	sadd.s32 s5, s19  }
0x9d: {  	s8 =	simm.s32 $0x0;
	s20 =	sshll.u32 s6, $0x1;
	s6 =	sadd.s32 s21, s4  }
0x9e: {  	[timem:s8], [sflag:s22] =	dma.local [hbm:s6], s20  }
0x9f: {  	_ =	swait.ge [sflag:s22], s20  }
0xa0: {  	s5 =	ssub.s32 $0x0, s20;
	[sflag:s22] =	ssyncset.done $0x0  }
0xa1: {  	[sflag:s22] =	ssyncadd.s32 s5;
	_ =	sdelay $0x1  }
0xa2: {  	s23 =	simm.s32 $0x1B8B  }
0xa3: {  	_ =	swait.ge [sflag:s23], $0x1  }
0xa4: {  	[sflag:s23] =	ssyncset.done $0x0  }
0xa5: {  	s25 =	simm.s32 $0x1B8E;
	s24 =	sld [smem:$0x3FFE];
	[sflag:s23] =	ssyncadd.s32 $0xFFFFFFFF  }
0xa6: {  	s26 =	simm.s32 $execute0_lowered;
	[smem:$0x3FD2] =	sst s25  }
0xa7: {  	s6 =	sshll.u32 s26, $0x1;
	_ =	strace $0x80000046;
	[dreg:$0x1] =	wrdreg $0xFFFFFFFF  }
0xa8: {  	s28 =	simm.s32 $_size_execute0_lowered;
	s4 =	sadd.s32 s4, s6;
	[dreg:$0x0] =	wrdreg $0x0  }
0xa9: {  	s6 =	sshll.u32 s28, $0x1;
	[dreg:$0x2] =	wrdreg s4  }
0xaa: {  	[dreg:$0x3] =	wrdreg s6  }
0xab: {  	[dreg:$0x4] =	wrdreg $0xC0  }
0xac: {  	_ =	task [dreg:s8], $0x5FFFF  }
0xad: {  	[dreg:$0x1] =	wrdreg $0xFFFFFFFF  }
0xae: {  	[dreg:$0x0] =	wrdreg $0x60  }
0xaf: {  	[dreg:$0x2] =	wrdreg s2  }
0xb0: {  	[dreg:$0x3] =	wrdreg s24  }
0xb1: {  	[dreg:$0x4] =	wrdreg s18  }
0xb2: {  	[dreg:$0x5] =	wrdreg $0x9  }
0xb3: {  	_ =	task.clear_ibuf [dreg:s8], $0x6FFFF;
	_ =	strace $0x90000046  }
0xb4: {  	s29 =	simm.s32 $0x9;
	_ =	strace $0x80000048  }
0xb5: {  	_ =	swait.ge [sflag:s29], $0x1  }
0xb6: {  	[sflag:s29] =	ssyncadd.s32 $0xFFFFFFFF  }
0xb7: {  	_ =	strace $0x90000048  }
0xb8: {  	_ =	sfence  }
0xb9: {  	s30 =	sld [smem:$0x0];
	_ =	sdelay $0x2  }
0xba: {  	s31 =	sshll.u32 s1, $0xD;
	s1 =	sshrl.u32 s1, $0x2  }
0xbb: {  	s3 =	sand.u32 $0x4000, s31;
	s1 =	sadd.s32 s1, s30  }
0xbc: {  	s0 =	sor.u32 s3, s0;
	s1 =	sshll.u32 s1, $0x11  }
0xbd: {  	s0 =	sor.u32 s1, s0  }
0xbe: {  	s0 =	sadd.s32 $0x8F2B, s0  }
0xbf: {  	[sflag:s0] =	ssyncadd.remote.s32 $0x1  }
0xc0: {  	_ =	sfence.sel $0xFFFF  }
0xc1: {  	[dreg:$0x0] =	wrdreg $0xFFFFFFFF;
	(pc) =	sbr.abs _section_cstart, $3  }
0xc2: {  	[dreg:$0x1] =	wrdreg $0xFFFFFFFF  }
0xc3: {  	_ =	task.clear_ibuf [dreg:s8], $0x2FFFF;
	_ =	strace $0x9FFFFFFF  }
0xc4: {  	(tm) =	ssettm $0x7FFFFFFF  }
0xc5: {  	_ =	shalt  }
tec
execute0_lowered:
.L_overlay_start_1:
0x0: {  	(tag) =	ssettag $0x1  }
0x1: {  	s7 =	rddreg [dreg:$0x0]  }
0x2: {  	s0 =	srdreg.scid;
	s2 =	rddreg [dreg:$0x1]  }
0x3: {  	s1 =	stileid.u32;
	s3 =	rddreg [dreg:$0x2]  }
0x4: {  	s25 =	simm.s32 $0x0;
	s15 =	simm.s32 $0x100;
	s16 =	simm.s32 $0x400  }
0x5: {  	s18 =	simm.s32 $0x4280;
	s19 =	simm.s32 $0x1;
	s20 =	simm.s32 $0x80  }
0x6: {  	s21 =	simm.s32 $0x180;
	s22 =	simm.s32 $0x200;
	s23 =	simm.s32 $0x8280  }
0x7: {  	s24 =	simm.s32 $0x2;
	s28 =	simm.s32 $0x4;
	s30 =	simm.s32 $0x6  }
0x8: {  	s0 =	sand.u32 $0x1, s0;
	s4 =	sshll.u32 s1, $0x8;
	[smem:$0x7FF] =	sst s25  }
0x9: {  	v0 =	vimm.s32 $0xEDCBA987;
	s2 =	sadd.s32 $0x400, s2;
	s10 =	sadd.s32 $0x20, s3;
	s25 =	simm.s32 $0xC280  }
0xa: {  	v1 =	vimm.s32 $0x65432100;
	v2 =	vimm.s32 $0x1211100F;
	s5 =	sshll.u32 s0, $0x7;
	s0 =	ssub.s32 $0x2, s0;
	_ =	strace $0x80000047  }
0xb: {  	v3 =	vimm.s32 $0x13121110;
	v4 =	vimm.s32 $0x13131211;
	v0 =	vunpack.c.l.s4.s8 v0;
	[dreg:$0x5] =	wrdreg s2;
	s4 =	sor.u32 s5, s4;
	s6 =	sshrl.u32 s0, $0x1  }
0xc: {  	vm0 =	vcmask $0xF00;
	v7 =	vimm.s32 $0x13;
	v1 =	vunpack.c.l.s4.s8 v1;
	s26 =	sshll.u32 s4, $0xA;
	s0 =	ssub.s32 s0, s6;
	s31 =	sshrl.u32 s4, $0x3  }
.Ltmp0:
0xd: {  	vm15 =	vcmask $0x300;
	v2 =	vunpack.c.0.s8.s32 v2;
	v0 =	vunpack.c.0.s8.s32 v0;
	s1 =	sadd.s32 s7, s26;
	[dreg:$0x7] =	wrdreg s31;
	(pc) =	sbr.rel .LBB2_1-.Ltmp0, $4  }
0xe: {  	v3 =	vunpack.c.0.s8.s32 v3;
	v4 =	vunpack.c.0.s8.s32 v4;
	s2 =	simm.s32 $0x0;
	v1 =	vunpack.c.0.s8.s32 v1;
	s0 =	smax.u32 s0, $0x1;
	[dreg:$0x4] =	wrdreg s1  }
0xf: {  	v7 =	vsel vm15, $0x12, v7;
	s5 =	smov.u32 s7;
	v2 =	vnsel vm0, $0x13, v2;
	v0 =	vand.u32 $0xF, v0;
	s29 =	sadd.s32 $0x20, s1;
	[dreg:$0x9] =	wrdreg s0  }
0x10: {  	v3 =	vnsel vm0, $0x13, v3;
	s11 =	sadd.s32 $0x2000, s1;
	s1 =	sadd.s32 $0x2020, s1;
	v0 =	vcombine.low v1, v0;
	v1 =	vlaneseq.u32;
	[dreg:$0x6] =	wrdreg s29  }
0x11: {  	v4 =	vnsel vm0, $0x13, v4;
	s9 =	smov.u32 s26;
	s26 =	simm.s32 $0x3;
	[dreg:$0x8] =	wrdreg s1;
	v5 =	vadd.s32 $0x1, v1;
	v6 =	vadd.s32 $0x2, v1  }
.LBB2_12:
0x12: {  	s0 =	simm.s32 $0x5  }
0x13: {  	_ =	swait.ge [sflag:s0], $0x4000  }
0x14: {  	[sflag:s0] =	ssyncset.done $0x0  }
0x15: {  	[sflag:s0] =	ssyncadd.s32 $0xFFFFC000  }
0x16: {  	_ =	swait.ge [sflag:s30], $0x4000  }
0x17: {  	[sflag:s30] =	ssyncset.done $0x0  }
0x18: {  	s29 =	simm.s32 $0x7;
	[sflag:s30] =	ssyncadd.s32 $0xFFFFC000  }
0x19: {  	_ =	swait.ge [sflag:s29], $0x4000  }
0x1a: {  	[sflag:s29] =	ssyncset.done $0x0  }
0x1b: {  	s1 =	simm.s32 $0x8;
	[sflag:s29] =	ssyncadd.s32 $0xFFFFC000  }
0x1c: {  	_ =	swait.ge [sflag:s1], $0x4000  }
0x1d: {  	s2 =	rddreg [dreg:$0xa]  }
0x1e: {  	s31 =	rddreg [dreg:$0x9];
	s2 =	sadd.s32 $0x1, s2  }
0x1f: {  	p0 =	sne.s32 s2, s31  }
.Ltmp1:
0x20: {  	_ = 	snop;
	(pc) =	sbr.rel @!p0 .LBB2_13-.Ltmp1, $3  }
0x21: {  	_ =	sdelay $0x1  }
0x22: {  	[sflag:s1] =	ssyncset.done $0x0  }
0x23: {  	[sflag:s1] =	ssyncadd.s32 $0xFFFFC000  }
.LBB2_1:
0x24: {  	[dreg:$0xa] =	wrdreg s2  }
0x25: {  	s0 =	simm.s32 $0x0;
	s1 =	rddreg [dreg:$0x5];
	s14 =	simm.s32 $0x9  }
0x26: {  	[tilespmem:s0], [sflag:$0x9] =	stream.linear.gather [hbm4b:s1+s0], $0x80, $0x38;
	[tilespmem:$0x10280] =	vst v63  }
0x27: {  	_ =	swait.ge [sflag:s14], $0x80  }
0x28: {  	[sflag:s14] =	ssyncset.done $0x0  }
0x29: {  	[sflag:s14] =	ssyncadd.s32 $0xFFFFFF80  }
0x2a: {  	v8 =	vld.idx.msk [tilespmem:v0+s0+$0x0], $0xffff  }
0x2b: {  	v9 =	vld.idx.msk [tilespmem:v1+s0+$0x0], $0xffff;
	_ =	sdelay $0x1  }
0x2c: {  	v10 =	vld.idx.msk [tilespmem:v5+s0+$0x0], $0xffff;
	_ =	sdelay $0x2  }
0x2d: {  	v11 =	vsub.f32 $0.0e+00, v8;
	v12 =	vmul.f32 $3.000000000e+00, v9  }
0x2e: {  	v13 =	vld.idx.msk [tilespmem:v6+s0+$0x0], $0xffff;
	v14 =	vadd.f32 v8, v8;
	v15 =	vmul.f32 $5.000000000e+00, v9  }
0x2f: {  	v51 =	vmul.f32 $3.000000000e+00, v10;
	v11 =	vadd.f32 v12, v11  }
0x30: {  	v52 =	vmul.f32 $4.000000000e+00, v10;
	v14 =	vsub.f32 v14, v15  }
0x31: {  	v11 =	vsub.f32 v11, v51  }
0x32: {  	v8 =	vsub.f32 v10, v8;
	v53 =	vadd.f32 v52, v14  }
0x33: {  	v11 =	vadd.f32 v11, v13  }
0x34: {  	v8 =	vmul.f32 $5.000000000e-01, v8;
	v12 =	vsub.f32 v53, v13  }
0x35: {  	[tilespmem:$0x200] =	vst v9;
	v11 =	vmul.f32 $5.000000000e-01, v11  }
0x36: {  	[tilespmem:$0x180] =	vst v8;
	v54 =	vmul.f32 $5.000000000e-01, v12  }
0x37: {  	[tilespmem:$0x80] =	vst v11  }
0x38: {  	[tilespmem:$0x100] =	vst v54  }
0x39: {  	v8 =	vld.idx.msk [tilespmem:v2+s0+$0x0], $0xffff  }
0x3a: {  	v9 =	vld.idx.msk [tilespmem:v3+s0+$0x0], $0xffff;
	_ =	sdelay $0x1  }
0x3b: {  	v10 =	vld.idx.msk [tilespmem:v4+s0+$0x0], $0xffff;
	_ =	sdelay $0x2  }
0x3c: {  	v55 =	vsub.f32 $0.0e+00, v8;
	v56 =	vmul.f32 $3.000000000e+00, v9  }
0x3d: {  	v57 =	vld.idx.msk [tilespmem:v7+s0+$0x0], $0xffff;
	v58 =	vadd.f32 v8, v8;
	v59 =	vmul.f32 $5.000000000e+00, v9  }
0x3e: {  	v60 =	vmul.f32 $3.000000000e+00, v10;
	v11 =	vadd.f32 v56, v55  }
0x3f: {  	v61 =	vmul.f32 $4.000000000e+00, v10;
	v14 =	vsub.f32 v58, v59  }
0x40: {  	v11 =	vsub.f32 v11, v60  }
0x41: {  	v8 =	vsub.f32 v10, v8;
	v62 =	vadd.f32 v61, v14  }
0x42: {  	v11 =	vadd.f32 v11, v57  }
0x43: {  	v8 =	vmul.f32 $5.000000000e-01, v8;
	v12 =	vsub.f32 v62, v57  }
0x44: {  	[tilespmem:$0x210] =	vst v9;
	v11 =	vmul.f32 $5.000000000e-01, v11  }
0x45: {  	[tilespmem:$0x190] =	vst v8;
	v63 =	vmul.f32 $5.000000000e-01, v12  }
0x46: {  	[tilespmem:$0x90] =	vst v11  }
0x47: {  	s29 =	simm.s32 $0x280;
	s17 =	rddreg [dreg:$0x4];
	[tilespmem:$0x110] =	vst v63  }
0x48: {  	[tilespmem:s29], [sflag:$0x1] =	stream.strided.gather [hbm4b:s17+s15], $0x4000, s16, s15, $0x38;
	[tilespmem:$0x10280] =	vst v63  }
0x49: {  	s7 =	simm.s32 $0x0;
	s31 =	rddreg [dreg:$0x6]  }
0x4a: {  	[tilespmem:s18], [sflag:$0x2] =	stream.strided.gather [hbm4b:s31+s15], $0x4000, s16, s15, $0x38;
	[tilespmem:$0x10280] =	vst v63  }
.LBB2_2:
0x4b: {  	_ =	swait.ge [sflag:s19], $0x4000;
	s0 =	simm.s32 $0x0  }
0x4c: {  	[sflag:s19] =	ssyncset.done $0x0;
	s2 =	sand.u32 $0x60, s0;
	s0 =	sand.u32 $0x3F00, s0  }
0x4d: {  	[sflag:s19] =	ssyncadd.s32 $0xFFFFC000;
	s6 =	sor.u32 s2, s0  }
0x4e: {  	v8 =	vld [tilespmem:s6+$0x290];
	_ =	sdelay $0x4  }
0x4f: {  	v8 =	vmax.f32 v8, $-5.000000000e+00  }
0x50: {  	v8 =	vmin.f32 v8, $5.000000000e+00  }
0x51: {  	v8 =	vadd.f32 $5.000000000e+00, v8  }
0x52: {  	v9 =	vld [tilespmem:s6+$0x280]  }
0x53: {  	v8 =	vmul.f32 $1.899999980e+00, v8;
	_ =	sdelay $0x1  }
0x54: {  	v10 =	vtrunc.f32 v8  }
0x55: {  	s12 =	simm.s32 $0x40;
	s13 =	simm.s32 $0x20;
	v10 =	vcvt.f32.s32 v10  }
0x56: {  	s2 =	sand.u32 $0x60, s13;
	s0 =	sand.u32 $0x3F00, s12;
	v9 =	vmax.f32 v9, $-5.000000000e+00  }
0x57: {  	s8 =	sor.u32 s2, s0;
	v9 =	vmin.f32 v9, $5.000000000e+00  }
0x58: {  	v13 =	vld [tilespmem:s8+$0x290];
	v9 =	vadd.f32 $5.000000000e+00, v9;
	_ =	sdelay $0x1  }
0x59: {  	v9 =	vmul.f32 $1.899999980e+00, v9  }
0x5a: {  	v12 =	vld.idx.msk [tilespmem:v10+s20+$0x0], $0xffff  }
0x5b: {  	v15 =	vtrunc.f32 v9;
	v14 =	vcvt.s32.f32 v10  }
0x5c: {  	v13 =	vmax.f32 v13, $-5.000000000e+00;
	v15 =	vcvt.f32.s32 v15;
	v16 =	vld.idx.msk [tilespmem:v10+s15+$0x0], $0xffff  }
0x5d: {  	v11 =	vld [tilespmem:s6+$0x310];
	v13 =	vmin.f32 v13, $5.000000000e+00;
	v8 =	vsub.f32 v8, v14  }
0x5e: {  	v13 =	vadd.f32 $5.000000000e+00, v13  }
0x5f: {  	v14 =	vld [tilespmem:s8+$0x280];
	v12 =	vmul.f32 v8, v12  }
0x60: {  	v13 =	vmul.f32 $1.899999980e+00, v13;
	v17 =	vld.idx.msk [tilespmem:v10+s21+$0x0], $0xffff  }
0x61: {  	v12 =	vadd.f32 v12, v16  }
0x62: {  	v11 =	vmax.f32 v11, $-5.000000000e+00;
	v20 =	vtrunc.f32 v13;
	v19 =	vld.idx.msk [tilespmem:v15+s20+$0x0], $0xffff  }
0x63: {  	v11 =	vmin.f32 v11, $5.000000000e+00;
	v18 =	vcvt.s32.f32 v15;
	v16 =	vld [tilespmem:s6+$0x300];
	v12 =	vmul.f32 v12, v8  }
0x64: {  	v11 =	vadd.f32 $5.000000000e+00, v11;
	v20 =	vcvt.f32.s32 v20;
	v10 =	vld.idx.msk [tilespmem:v10+s22+$0x0], $0xffff;
	v14 =	vmax.f32 v14, $-5.000000000e+00  }
0x65: {  	s14 =	simm.s32 $0x80;
	s17 =	simm.s32 $0x40;
	v9 =	vsub.f32 v9, v18;
	v18 =	vld.idx.msk [tilespmem:v15+s15+$0x0], $0xffff;
	v14 =	vmin.f32 v14, $5.000000000e+00;
	v12 =	vadd.f32 v12, v17  }
0x66: {  	s2 =	sand.u32 $0x60, s17;
	s0 =	sand.u32 $0x3F00, s14;
	v14 =	vadd.f32 $5.000000000e+00, v14  }
0x67: {  	v21 =	vld [tilespmem:s8+$0x300];
	s13 =	sor.u32 s2, s0;
	v11 =	vmul.f32 $1.899999980e+00, v11;
	v8 =	vmul.f32 v12, v8  }
0x68: {  	v22 =	vld [tilespmem:s13+$0x290];
	v19 =	vmul.f32 v9, v19;
	v14 =	vmul.f32 $1.899999980e+00, v14;
	v12 =	vmax.f32 v16, $-5.000000000e+00  }
0x69: {  	v17 =	vtrunc.f32 v11;
	v16 =	vld.idx.msk [tilespmem:v15+s21+$0x0], $0xffff;
	v12 =	vmin.f32 v12, $5.000000000e+00;
	v8 =	vadd.f32 v8, v10  }
0x6a: {  	v23 =	vld.idx.msk [tilespmem:v20+s20+$0x0], $0xffff;
	v17 =	vcvt.f32.s32 v17;
	v10 =	vadd.f32 $5.000000000e+00, v12;
	v12 =	vadd.f32 v19, v18  }
0x6b: {  	v32 =	vld [tilespmem:s13+$0x300];
	v25 =	vcvt.s32.f32 v20;
	v18 =	vtrunc.f32 v14  }
0x6c: {  	s29 =	simm.s32 $0xC0;
	s31 =	simm.s32 $0x60;
	v26 =	vld.idx.msk [tilespmem:v20+s15+$0x0], $0xffff;
	[tilespmem:s6+$0x290] =	vst v8;
	v10 =	vmul.f32 $1.899999980e+00, v10;
	v8 =	vmax.f32 v21, $-5.000000000e+00;
	v12 =	vmul.f32 v12, v9  }
0x6d: {  	s2 =	sand.u32 $0x60, s31;
	s0 =	sand.u32 $0x3F00, s29;
	v13 =	vsub.f32 v13, v25;
	v15 =	vld.idx.msk [tilespmem:v15+s22+$0x0], $0xffff;
	v18 =	vcvt.f32.s32 v18;
	v8 =	vmin.f32 v8, $5.000000000e+00  }
0x6e: {  	s14 =	sor.u32 s2, s0;
	v19 =	vld [tilespmem:s8+$0x310];
	v24 =	vtrunc.f32 v10;
	v8 =	vadd.f32 $5.000000000e+00, v8;
	v12 =	vadd.f32 v12, v16  }
0x6f: {  	v35 =	vld [tilespmem:s14+$0x280];
	v23 =	vmul.f32 v13, v23;
	v24 =	vcvt.f32.s32 v24  }
0x70: {  	v21 =	vld.idx.msk [tilespmem:v17+s20+$0x0], $0xffff;
	v27 =	vmul.f32 $1.899999980e+00, v8;
	v8 =	vmul.f32 v12, v9  }
0x71: {  	v23 =	vadd.f32 v23, v26;
	v9 =	vld [tilespmem:s13+$0x280];
	v12 =	vcvt.s32.f32 v18  }
0x72: {  	v16 =	vld.idx.msk [tilespmem:v17+s15+$0x0], $0xffff;
	v28 =	vcvt.s32.f32 v24;
	v15 =	vadd.f32 v8, v15;
	v8 =	vcvt.s32.f32 v17  }
0x73: {  	v29 =	vld.idx.msk [tilespmem:v18+s20+$0x0], $0xffff;
	v25 =	vtrunc.f32 v27;
	v14 =	vsub.f32 v14, v12;
	v12 =	vmax.f32 v19, $-5.000000000e+00  }
0x74: {  	v19 =	vld.idx.msk [tilespmem:v20+s21+$0x0], $0xffff;
	v31 =	vsub.f32 v11, v8;
	v8 =	vmax.f32 v22, $-5.000000000e+00;
	v11 =	vmin.f32 v12, $5.000000000e+00  }
0x75: {  	v30 =	vld.idx.msk [tilespmem:v17+s21+$0x0], $0xffff;
	v22 =	vmin.f32 v8, $5.000000000e+00;
	v11 =	vadd.f32 $5.000000000e+00, v11;
	v8 =	vcvt.f32.s32 v25  }
0x76: {  	v12 =	vld.idx.msk [tilespmem:v18+s15+$0x0], $0xffff;
	v9 =	vmax.f32 v9, $-5.000000000e+00;
	v21 =	vmul.f32 v31, v21;
	v22 =	vadd.f32 $5.000000000e+00, v22  }
0x77: {  	v9 =	vmin.f32 v9, $5.000000000e+00;
	v25 =	vmul.f32 $1.899999980e+00, v11;
	v11 =	vld.idx.msk [tilespmem:v20+s22+$0x0], $0xffff;
	v20 =	vmul.f32 v23, v13  }
0x78: {  	v17 =	vld.idx.msk [tilespmem:v17+s22+$0x0], $0xffff;
	[tilespmem:s6+$0x280] =	vst v15;
	v9 =	vadd.f32 $5.000000000e+00, v9;
	v16 =	vadd.f32 v21, v16;
	v21 =	vmul.f32 $1.899999980e+00, v22  }
0x79: {  	v26 =	vld.idx.msk [tilespmem:v24+s20+$0x0], $0xffff;
	v15 =	vmul.f32 v14, v29;
	v19 =	vadd.f32 v20, v19;
	v20 =	vtrunc.f32 v25  }
0x7a: {  	v29 =	vmax.f32 v32, $-5.000000000e+00;
	v22 =	vld.idx.msk [tilespmem:v18+s21+$0x0], $0xffff;
	v60 =	vmul.f32 $1.899999980e+00, v9;
	v23 =	vtrunc.f32 v21  }
0x7b: {  	v15 =	vadd.f32 v15, v12;
	v12 =	vld.idx.msk [tilespmem:v24+s21+$0x0], $0xffff;
	v20 =	vcvt.f32.s32 v20;
	v13 =	vmul.f32 v19, v13  }
0x7c: {  	v29 =	vmin.f32 v29, $5.000000000e+00;
	v9 =	vld.idx.msk [tilespmem:v24+s22+$0x0], $0xffff;
	v16 =	vmul.f32 v16, v31;
	v23 =	vcvt.f32.s32 v23  }
0x7d: {  	v19 =	vld.idx.msk [tilespmem:v24+s15+$0x0], $0xffff;
	v15 =	vmul.f32 v15, v14;
	v24 =	vadd.f32 $5.000000000e+00, v29;
	v11 =	vadd.f32 v13, v11  }
0x7e: {  	v18 =	vld.idx.msk [tilespmem:v18+s22+$0x0], $0xffff;
	v13 =	vadd.f32 v16, v30;
	v16 =	vtrunc.f32 v60;
	v30 =	vcvt.s32.f32 v8  }
0x7f: {  	v15 =	vadd.f32 v15, v22;
	v22 =	vld [tilespmem:s14+$0x290];
	v24 =	vmul.f32 $1.899999980e+00, v24;
	v33 =	vcvt.s32.f32 v23  }
0x80: {  	v29 =	vld [tilespmem:s13+$0x310];
	v16 =	vcvt.f32.s32 v16;
	[tilespmem:s8+$0x290] =	vst v11;
	v13 =	vmul.f32 v13, v31  }
0x81: {  	v11 =	vsub.f32 v10, v28;
	v10 =	vsub.f32 v27, v30;
	v14 =	vmul.f32 v15, v14;
	v28 =	vld.idx.msk [tilespmem:v20+s20+$0x0], $0xffff  }
0x82: {  	v27 =	vcvt.s32.f32 v20;
	v15 =	vld.idx.msk [tilespmem:v23+s20+$0x0], $0xffff;
	v30 =	vadd.f32 v13, v17;
	v17 =	vcvt.s32.f32 v16  }
0x83: {  	v21 =	vsub.f32 v21, v33;
	v31 =	vld.idx.msk [tilespmem:v20+s15+$0x0], $0xffff;
	v26 =	vmul.f32 v11, v26;
	v13 =	vtrunc.f32 v24  }
0x84: {  	v25 =	vsub.f32 v25, v27;
	v27 =	vld.idx.msk [tilespmem:v23+s15+$0x0], $0xffff;
	v34 =	vadd.f32 v14, v18;
	v22 =	vmax.f32 v22, $-5.000000000e+00  }
0x85: {  	v36 =	vld [tilespmem:s14+$0x300];
	v13 =	vcvt.f32.s32 v13;
	v14 =	vsub.f32 v60, v17;
	v22 =	vmin.f32 v22, $5.000000000e+00  }
0x86: {  	v17 =	vadd.f32 v26, v19;
	v19 =	vld.idx.msk [tilespmem:v16+s20+$0x0], $0xffff;
	v22 =	vadd.f32 $5.000000000e+00, v22;
	v18 =	vmul.f32 v25, v28  }
0x87: {  	v26 =	vcvt.s32.f32 v13;
	v28 =	vmax.f32 v29, $-5.000000000e+00;
	v29 =	vld.idx.msk [tilespmem:v20+s21+$0x0], $0xffff;
	v15 =	vmul.f32 v21, v15  }
0x88: {  	v61 =	vld.idx.msk [tilespmem:v23+s21+$0x0], $0xffff;
	v22 =	vmul.f32 $1.899999980e+00, v22;
	v31 =	vadd.f32 v18, v31;
	v18 =	vmin.f32 v28, $5.000000000e+00  }
0x89: {  	v62 =	vld.idx.msk [tilespmem:v16+s15+$0x0], $0xffff;
	v28 =	vadd.f32 v15, v27;
	v27 =	vadd.f32 $5.000000000e+00, v18;
	v18 =	vmul.f32 v17, v11  }
0x8a: {  	v63 =	vld.idx.msk [tilespmem:v20+s22+$0x0], $0xffff;
	v15 =	vsub.f32 v24, v26;
	v24 =	vmax.f32 v35, $-5.000000000e+00;
	v20 =	vmul.f32 v31, v25  }
0x8b: {  	v24 =	vmin.f32 v24, $5.000000000e+00;
	v17 =	vmul.f32 $1.899999980e+00, v27;
	v27 =	vld.idx.msk [tilespmem:v23+s22+$0x0], $0xffff;
	v23 =	vmul.f32 v28, v21  }
0x8c: {  	v26 =	vld.idx.msk [tilespmem:v16+s21+$0x0], $0xffff;
	v19 =	vmul.f32 v14, v19;
	v28 =	vadd.f32 $5.000000000e+00, v24;
	v20 =	vadd.f32 v20, v29  }
0x8d: {  	[tilespmem:s8+$0x280] =	vst v34;
	v24 =	vld.idx.msk [tilespmem:v16+s22+$0x0], $0xffff;
	v29 =	vtrunc.f32 v22;
	v32 =	vadd.f32 v23, v61;
	v16 =	vtrunc.f32 v17  }
0x8e: {  	v33 =	vadd.f32 v19, v62;
	v19 =	vld.idx.msk [tilespmem:v8+s15+$0x0], $0xffff;
	v16 =	vcvt.f32.s32 v16;
	v25 =	vmul.f32 v20, v25  }
0x8f: {  	v31 =	vmax.f32 v36, $-5.000000000e+00;
	v23 =	vld.idx.msk [tilespmem:v8+s20+$0x0], $0xffff;
	v20 =	vcvt.f32.s32 v29;
	v29 =	vmul.f32 v32, v21  }
0x90: {  	s4 =	simm.s32 $0x100;
	s2 =	simm.s32 $0x6;
	s0 =	simm.s32 $0x80;
	[tilespmem:s6+$0x310] =	vst v30;
	v28 =	vmul.f32 $1.899999980e+00, v28;
	v30 =	vmul.f32 v33, v14;
	v21 =	vld.idx.msk [tilespmem:v8+s21+$0x0], $0xffff;
	v25 =	vadd.f32 v25, v63  }
.LBB2_3:
0x91: {  	s17 =	sand.u32 $0x60, s0;
	s29 =	sand.u32 $0x3F00, s4;
	v31 =	vmin.f32 v31, $5.000000000e+00;
	v27 =	vadd.f32 v29, v27;
	v29 =	vld.idx.msk [tilespmem:v8+s22+$0x0], $0xffff;
	v12 =	vadd.f32 v18, v12;
	v8 =	vmovc v13  }
0x92: {  	s17 =	sor.u32 s17, s29;
	v13 =	vtrunc.f32 v28;
	v18 =	vadd.f32 $5.000000000e+00, v31;
	v31 =	vld [tilespmem:s14+$0x310];
	v26 =	vadd.f32 v30, v26;
	[tilespmem:s8+$0x310] =	vst v25  }
0x93: {  	v25 =	vld [tilespmem:s17+$0x290];
	v30 =	vcvt.f32.s32 v13;
	[tilespmem:s13+$0x290] =	vst v27;
	v34 =	vmul.f32 v12, v11;
	v11 =	vmovc v10;
	v10 =	vmov v15  }
0x94: {  	v15 =	vmul.f32 $1.899999980e+00, v18;
	v13 =	vmul.f32 v26, v14;
	v18 =	vld.idx.msk [tilespmem:v16+s20+$0x0], $0xffff  }
0x95: {  	s2 =	sadd.s32 $0x2, s2;
	v23 =	vmul.f32 v11, v23;
	v14 =	vcvt.s32.f32 v30;
	v26 =	vld.idx.msk [tilespmem:v20+s20+$0x0], $0xffff;
	v34 =	vadd.f32 v34, v9  }
0x96: {  	v32 =	vcvt.s32.f32 v16;
	p0 =	slt.u32 s2, $0x1FE;
	v12 =	vmovc v21;
	v27 =	vtrunc.f32 v15;
	v24 =	vadd.f32 v13, v24;
	v33 =	vld.idx.msk [tilespmem:v16+s15+$0x0], $0xffff  }
0x97: {  	v21 =	vcvt.s32.f32 v20;
	v9 =	vmovc v29;
	v14 =	vsub.f32 v28, v14;
	v13 =	vcvt.f32.s32 v27;
	v27 =	vld.idx.msk [tilespmem:v20+s15+$0x0], $0xffff;
	[tilespmem:s6+$0x300] =	vst v34;
	s6 =	smov.u32 s8;
	s8 =	smov.u32 s13;
	s13 =	smov.u32 s14  }
0x98: {  	v29 =	vsub.f32 v17, v32;
	v17 =	vadd.f32 v23, v19;
	s14 =	smov.u32 s17;
	v28 =	vld [tilespmem:s17+$0x280];
	[tilespmem:s8+$0x280] =	vst v24  }
0x99: {  	v21 =	vsub.f32 v22, v21;
	v19 =	vld.idx.msk [tilespmem:v30+s20+$0x0], $0xffff;
	v23 =	vcvt.s32.f32 v13  }
0x9a: {  	v22 =	vmax.f32 v31, $-5.000000000e+00;
	v31 =	vmul.f32 v29, v18;
	v18 =	vmul.f32 v17, v11;
	v24 =	vld.idx.msk [tilespmem:v16+s21+$0x0], $0xffff  }
0x9b: {  	v22 =	vmin.f32 v22, $5.000000000e+00;
	v17 =	vmax.f32 v25, $-5.000000000e+00;
	v26 =	vmul.f32 v21, v26;
	v25 =	vld.idx.msk [tilespmem:v20+s21+$0x0], $0xffff  }
0x9c: {  	v22 =	vadd.f32 $5.000000000e+00, v22;
	v17 =	vmin.f32 v17, $5.000000000e+00;
	v31 =	vadd.f32 v31, v33;
	v32 =	vld.idx.msk [tilespmem:v30+s15+$0x0], $0xffff  }
0x9d: {  	v34 =	vadd.f32 $5.000000000e+00, v17;
	v26 =	vadd.f32 v26, v27;
	v28 =	vmax.f32 v28, $-5.000000000e+00;
	v33 =	vld [tilespmem:s14+$0x300]  }
0x9e: {  	v17 =	vmul.f32 $1.899999980e+00, v22;
	v27 =	vmin.f32 v28, $5.000000000e+00;
	v35 =	vld.idx.msk [tilespmem:v16+s22+$0x0], $0xffff;
	v16 =	vmul.f32 v31, v29  }
0x9f: {  	v22 =	vmul.f32 $1.899999980e+00, v34;
	v28 =	vadd.f32 $5.000000000e+00, v27;
	v27 =	vld.idx.msk [tilespmem:v20+s22+$0x0], $0xffff;
	v20 =	vmul.f32 v26, v21  }
.Ltmp2:
0xa0: {  	v15 =	vsub.f32 v15, v23;
	v19 =	vmul.f32 v14, v19;
	v26 =	vld.idx.msk [tilespmem:v30+s21+$0x0], $0xffff;
	v31 =	vadd.f32 v16, v24;
	(pc) =	sbr.rel @p0 .LBB2_3-.Ltmp2, $4  }
0xa1: {  	v34 =	vtrunc.f32 v22;
	v16 =	vtrunc.f32 v17;
	v24 =	vld.idx.msk [tilespmem:v30+s22+$0x0], $0xffff;
	v25 =	vadd.f32 v20, v25  }
0xa2: {  	v30 =	vadd.f32 v19, v32;
	v16 =	vcvt.f32.s32 v16;
	v23 =	vld.idx.msk [tilespmem:v8+s20+$0x0], $0xffff;
	v32 =	vmul.f32 v31, v29  }
0xa3: {  	v20 =	vcvt.f32.s32 v34;
	v31 =	vmax.f32 v33, $-5.000000000e+00;
	v29 =	vmul.f32 v25, v21;
	v19 =	vld.idx.msk [tilespmem:v8+s15+$0x0], $0xffff  }
0xa4: {  	s4 =	sadd.s32 $0x40, s4;
	s0 =	sadd.s32 $0x20, s0;
	v28 =	vmul.f32 $1.899999980e+00, v28;
	v30 =	vmul.f32 v30, v14;
	v21 =	vld.idx.msk [tilespmem:v8+s21+$0x0], $0xffff;
	v25 =	vadd.f32 v32, v35  }
0xa5: {  	_ = 	snop  }
0xa6: {  	v32 =	vtrunc.f32 v28  }
0xa7: {  	v32 =	vcvt.f32.s32 v32;
	_ =	sdelay $0x1  }
0xa8: {  	v33 =	vld [tilespmem:s14+$0x310]  }
0xa9: {  	v34 =	vld.idx.msk [tilespmem:v20+s20+$0x0], $0xffff  }
0xaa: {  	v35 =	vcvt.s32.f32 v20  }
0xab: {  	v36 =	vld.idx.msk [tilespmem:v20+s15+$0x0], $0xffff  }
0xac: {  	v22 =	vsub.f32 v22, v35;
	v37 =	vld.idx.msk [tilespmem:v32+s20+$0x0], $0xffff  }
0xad: {  	v38 =	vcvt.s32.f32 v32  }
0xae: {  	v33 =	vmax.f32 v33, $-5.000000000e+00;
	v34 =	vmul.f32 v22, v34;
	v46 =	vld.idx.msk [tilespmem:v32+s15+$0x0], $0xffff  }
0xaf: {  	v47 =	vld.idx.msk [tilespmem:v20+s21+$0x0], $0xffff;
	v28 =	vsub.f32 v28, v38;
	v33 =	vmin.f32 v33, $5.000000000e+00  }
0xb0: {  	v31 =	vmin.f32 v31, $5.000000000e+00;
	v33 =	vadd.f32 $5.000000000e+00, v33;
	v34 =	vadd.f32 v34, v36  }
0xb1: {  	v31 =	vadd.f32 $5.000000000e+00, v31;
	v48 =	vmul.f32 v28, v37  }
0xb2: {  	v26 =	vadd.f32 v30, v26;
	v49 =	vld.idx.msk [tilespmem:v32+s21+$0x0], $0xffff;
	v33 =	vmul.f32 $1.899999980e+00, v33;
	v34 =	vmul.f32 v34, v22  }
0xb3: {  	v27 =	vadd.f32 v29, v27;
	v20 =	vld.idx.msk [tilespmem:v20+s22+$0x0], $0xffff;
	v29 =	vmul.f32 $1.899999980e+00, v31;
	v35 =	vadd.f32 v48, v46  }
0xb4: {  	v14 =	vmul.f32 v26, v14;
	v30 =	vadd.f32 v34, v47;
	v31 =	vtrunc.f32 v33  }
0xb5: {  	v31 =	vcvt.f32.s32 v31;
	v50 =	vmul.f32 v35, v28  }
0xb6: {  	v26 =	vld.idx.msk [tilespmem:v32+s22+$0x0], $0xffff;
	v22 =	vmul.f32 v30, v22  }
0xb7: {  	v8 =	vld.idx.msk [tilespmem:v8+s22+$0x0], $0xffff;
	[tilespmem:s13+$0x290] =	vst v27;
	v14 =	vadd.f32 v14, v24;
	v30 =	vadd.f32 v50, v49  }
0xb8: {  	v51 =	vld.idx.msk [tilespmem:v16+s20+$0x0], $0xffff;
	v27 =	vtrunc.f32 v29;
	v20 =	vadd.f32 v22, v20  }
0xb9: {  	v24 =	vcvt.f32.s32 v27;
	v27 =	vld.idx.msk [tilespmem:v16+s15+$0x0], $0xffff;
	[tilespmem:s13+$0x280] =	vst v14;
	v22 =	vmul.f32 v30, v28  }
0xba: {  	v14 =	vld.idx.msk [tilespmem:v16+s21+$0x0], $0xffff;
	[tilespmem:s14+$0x290] =	vst v20;
	v28 =	vcvt.s32.f32 v16  }
0xbb: {  	v20 =	vadd.f32 v22, v26;
	v22 =	vld.idx.msk [tilespmem:v31+s20+$0x0], $0xffff  }
0xbc: {  	v30 =	vld.idx.msk [tilespmem:v13+s20+$0x0], $0xffff;
	v17 =	vsub.f32 v17, v28;
	v26 =	vcvt.s32.f32 v31  }
0xbd: {  	v23 =	vmul.f32 v10, v23;
	v28 =	vld.idx.msk [tilespmem:v31+s15+$0x0], $0xffff  }
0xbe: {  	v53 =	vld.idx.msk [tilespmem:v13+s15+$0x0], $0xffff;
	[tilespmem:s14+$0x280] =	vst v20;
	v32 =	vmul.f32 v17, v51;
	v26 =	vsub.f32 v33, v26  }
0xbf: {  	v19 =	vadd.f32 v23, v19;
	v20 =	vld.idx.msk [tilespmem:v24+s20+$0x0], $0xffff  }
0xc0: {  	v52 =	vcvt.s32.f32 v24;
	v54 =	vld.idx.msk [tilespmem:v24+s15+$0x0], $0xffff;
	v27 =	vadd.f32 v32, v27;
	v22 =	vmul.f32 v26, v22  }
0xc1: {  	v12 =	vadd.f32 v18, v12;
	v18 =	vmul.f32 v19, v10;
	v23 =	vmul.f32 v15, v30;
	v30 =	vld.idx.msk [tilespmem:v31+s21+$0x0], $0xffff  }
0xc2: {  	v29 =	vsub.f32 v29, v52;
	v16 =	vld.idx.msk [tilespmem:v16+s22+$0x0], $0xffff;
	v27 =	vmul.f32 v27, v17;
	v22 =	vadd.f32 v22, v28  }
0xc3: {  	v11 =	vmul.f32 v12, v11;
	v12 =	vadd.f32 v18, v21;
	v19 =	vadd.f32 v23, v53;
	v23 =	vld.idx.msk [tilespmem:v24+s21+$0x0], $0xffff  }
0xc4: {  	v28 =	vld.idx.msk [tilespmem:v13+s21+$0x0], $0xffff;
	v20 =	vmul.f32 v29, v20;
	v14 =	vadd.f32 v27, v14;
	v22 =	vmul.f32 v22, v26  }
0xc5: {  	v10 =	vmul.f32 v12, v10;
	v18 =	vmul.f32 v19, v15;
	v19 =	vld.idx.msk [tilespmem:v31+s22+$0x0], $0xffff  }
0xc6: {  	v20 =	vadd.f32 v20, v54;
	v14 =	vmul.f32 v14, v17;
	v17 =	vadd.f32 v22, v30  }
0xc7: {  	[tilespmem:s8+$0x310] =	vst v25;
	v9 =	vadd.f32 v11, v9;
	v8 =	vadd.f32 v10, v8  }
0xc8: {  	v13 =	vld.idx.msk [tilespmem:v13+s22+$0x0], $0xffff;
	v20 =	vmul.f32 v20, v29;
	v14 =	vadd.f32 v14, v16;
	v16 =	vmul.f32 v17, v26  }
0xc9: {  	[tilespmem:s6+$0x300] =	vst v9;
	v11 =	vld.idx.msk [tilespmem:v24+s22+$0x0], $0xffff;
	v12 =	vadd.f32 v18, v28  }
0xca: {  	[tilespmem:s8+$0x300] =	vst v8;
	v17 =	vadd.f32 v20, v23;
	v10 =	vadd.f32 v16, v19  }
0xcb: {  	v9 =	vmul.f32 v12, v15;
	[tilespmem:s13+$0x310] =	vst v14  }
0xcc: {  	v12 =	vmul.f32 v17, v29;
	[tilespmem:s14+$0x310] =	vst v10  }
0xcd: {  	v8 =	vadd.f32 v9, v13;
	s0 =	rddreg [dreg:$0x7]  }
0xce: {  	v9 =	vadd.f32 v12, v11;
	s0 =	sadd.s32 s0, s7  }
0xcf: {  	[tilespmem:s13+$0x300] =	vst v8;
	s0 =	sshll.u32 s0, $0xD  }
0xd0: {  	s1 =	simm.s32 $0x280;
	p0 =	seq.s32 s7, $0x0;
	[tilespmem:s14+$0x300] =	vst v9;
	s0 =	sadd.s32 s3, s0  }
0xd1: {  	[hbm4b:s0+s15] =	stream.strided.scatter [tilespmem:s1], [sflag:$0x5], $0x4000, s16, s15, $0x38;
	[tilespmem:$0x10280] =	vst v63  }
0xd2: {  	s8 =	sshll.u32 s7, $0xD;
	s0 =	simm.s32 @!p0 $0x7  }
0xd3: {  	s13 =	sor.u32 s9, s8;
	_ =	swait.ge @!p0 [sflag:s0], $0x4000  }
0xd4: {  	s6 =	sor.u32 $0x40, s13;
	[sflag:s0] =	ssyncset.done @!p0 $0x0  }
0xd5: {  	s2 =	sadd.s32 s5, s6;
	[sflag:s0] =	ssyncadd.s32 @!p0 $0xFFFFC000  }
0xd6: {  	[tilespmem:s23], [sflag:$0x3] =	stream.strided.gather [hbm4b:s2+s15], $0x4000, s16, s15, $0x38;
	[tilespmem:$0x10280] =	vst v63  }
0xd7: {  	s4 =	simm.s32 $0x0;
	_ =	swait.ge [sflag:s24], $0x4000  }
0xd8: {  	s0 =	sand.u32 $0x3F00, s4;
	s2 =	sand.u32 $0x60, s4;
	[sflag:s24] =	ssyncset.done $0x0  }
0xd9: {  	s14 =	sor.u32 s2, s0;
	[sflag:s24] =	ssyncadd.s32 $0xFFFFC000  }
0xda: {  	v8 =	vld [tilespmem:s14+$0x4290];
	_ =	sdelay $0x4  }
0xdb: {  	v8 =	vmax.f32 v8, $-5.000000000e+00  }
0xdc: {  	v8 =	vmin.f32 v8, $5.000000000e+00  }
0xdd: {  	v8 =	vadd.f32 $5.000000000e+00, v8  }
0xde: {  	v9 =	vld [tilespmem:s14+$0x4280]  }
0xdf: {  	v8 =	vmul.f32 $1.899999980e+00, v8;
	_ =	sdelay $0x1  }
0xe0: {  	v10 =	vtrunc.f32 v8  }
0xe1: {  	s12 =	simm.s32 $0x40;
	s17 =	simm.s32 $0x20;
	v10 =	vcvt.f32.s32 v10  }
0xe2: {  	s2 =	sand.u32 $0x60, s17;
	s0 =	sand.u32 $0x3F00, s12;
	v9 =	vmax.f32 v9, $-5.000000000e+00  }
0xe3: {  	s29 =	sor.u32 s2, s0;
	v9 =	vmin.f32 v9, $5.000000000e+00  }
0xe4: {  	v13 =	vld [tilespmem:s29+$0x4290];
	v9 =	vadd.f32 $5.000000000e+00, v9;
	_ =	sdelay $0x1  }
0xe5: {  	v9 =	vmul.f32 $1.899999980e+00, v9  }
0xe6: {  	v12 =	vld.idx.msk [tilespmem:v10+s20+$0x0], $0xffff  }
0xe7: {  	v15 =	vtrunc.f32 v9;
	v14 =	vcvt.s32.f32 v10  }
0xe8: {  	v13 =	vmax.f32 v13, $-5.000000000e+00;
	v15 =	vcvt.f32.s32 v15;
	v16 =	vld.idx.msk [tilespmem:v10+s15+$0x0], $0xffff  }
0xe9: {  	v11 =	vld [tilespmem:s14+$0x4310];
	v13 =	vmin.f32 v13, $5.000000000e+00;
	v8 =	vsub.f32 v8, v14  }
0xea: {  	v13 =	vadd.f32 $5.000000000e+00, v13  }
0xeb: {  	v14 =	vld [tilespmem:s29+$0x4280];
	v12 =	vmul.f32 v8, v12  }
0xec: {  	v13 =	vmul.f32 $1.899999980e+00, v13;
	v17 =	vld.idx.msk [tilespmem:v10+s21+$0x0], $0xffff  }
0xed: {  	v12 =	vadd.f32 v12, v16  }
0xee: {  	v11 =	vmax.f32 v11, $-5.000000000e+00;
	v20 =	vtrunc.f32 v13;
	v19 =	vld.idx.msk [tilespmem:v15+s20+$0x0], $0xffff  }
0xef: {  	v11 =	vmin.f32 v11, $5.000000000e+00;
	v18 =	vcvt.s32.f32 v15;
	v16 =	vld [tilespmem:s14+$0x4300];
	v12 =	vmul.f32 v12, v8  }
0xf0: {  	v11 =	vadd.f32 $5.000000000e+00, v11;
	v20 =	vcvt.f32.s32 v20;
	v10 =	vld.idx.msk [tilespmem:v10+s22+$0x0], $0xffff;
	v14 =	vmax.f32 v14, $-5.000000000e+00  }
0xf1: {  	s1 =	simm.s32 $0x80;
	s4 =	simm.s32 $0x40;
	v9 =	vsub.f32 v9, v18;
	v18 =	vld.idx.msk [tilespmem:v15+s15+$0x0], $0xffff;
	v14 =	vmin.f32 v14, $5.000000000e+00;
	v12 =	vadd.f32 v12, v17  }
0xf2: {  	s2 =	sand.u32 $0x60, s4;
	s0 =	sand.u32 $0x3F00, s1;
	v14 =	vadd.f32 $5.000000000e+00, v14  }
0xf3: {  	s31 =	sor.u32 s2, s0;
	v21 =	vld [tilespmem:s29+$0x4300];
	v11 =	vmul.f32 $1.899999980e+00, v11;
	v8 =	vmul.f32 v12, v8  }
0xf4: {  	v22 =	vld [tilespmem:s31+$0x4290];
	v19 =	vmul.f32 v9, v19;
	v14 =	vmul.f32 $1.899999980e+00, v14;
	v12 =	vmax.f32 v16, $-5.000000000e+00  }
0xf5: {  	v17 =	vtrunc.f32 v11;
	v16 =	vld.idx.msk [tilespmem:v15+s21+$0x0], $0xffff;
	v12 =	vmin.f32 v12, $5.000000000e+00;
	v8 =	vadd.f32 v8, v10  }
0xf6: {  	v23 =	vld.idx.msk [tilespmem:v20+s20+$0x0], $0xffff;
	v17 =	vcvt.f32.s32 v17;
	v10 =	vadd.f32 $5.000000000e+00, v12;
	v12 =	vadd.f32 v19, v18  }
0xf7: {  	v55 =	vld [tilespmem:s31+$0x4300];
	v25 =	vcvt.s32.f32 v20;
	v18 =	vtrunc.f32 v14  }
0xf8: {  	s12 =	simm.s32 $0xC0;
	s17 =	simm.s32 $0x60;
	v26 =	vld.idx.msk [tilespmem:v20+s15+$0x0], $0xffff;
	[tilespmem:s14+$0x4290] =	vst v8;
	v10 =	vmul.f32 $1.899999980e+00, v10;
	v8 =	vmax.f32 v21, $-5.000000000e+00;
	v12 =	vmul.f32 v12, v9  }
0xf9: {  	s2 =	sand.u32 $0x60, s17;
	s0 =	sand.u32 $0x3F00, s12;
	v13 =	vsub.f32 v13, v25;
	v15 =	vld.idx.msk [tilespmem:v15+s22+$0x0], $0xffff;
	v18 =	vcvt.f32.s32 v18;
	v8 =	vmin.f32 v8, $5.000000000e+00  }
0xfa: {  	s2 =	sor.u32 s2, s0;
	v19 =	vld [tilespmem:s29+$0x4310];
	v24 =	vtrunc.f32 v10;
	v8 =	vadd.f32 $5.000000000e+00, v8;
	v12 =	vadd.f32 v12, v16  }
0xfb: {  	v59 =	vld [tilespmem:s2+$0x4280];
	v23 =	vmul.f32 v13, v23;
	v24 =	vcvt.f32.s32 v24  }
0xfc: {  	v21 =	vld.idx.msk [tilespmem:v17+s20+$0x0], $0xffff;
	v27 =	vmul.f32 $1.899999980e+00, v8;
	v8 =	vmul.f32 v12, v9  }
0xfd: {  	v23 =	vadd.f32 v23, v26;
	v9 =	vld [tilespmem:s31+$0x4280];
	v12 =	vcvt.s32.f32 v18  }
0xfe: {  	v16 =	vld.idx.msk [tilespmem:v17+s15+$0x0], $0xffff;
	v28 =	vcvt.s32.f32 v24;
	v15 =	vadd.f32 v8, v15;
	v8 =	vcvt.s32.f32 v17  }
0xff: {  	v29 =	vld.idx.msk [tilespmem:v18+s20+$0x0], $0xffff;
	v25 =	vtrunc.f32 v27;
	v14 =	vsub.f32 v14, v12;
	v12 =	vmax.f32 v19, $-5.000000000e+00  }
0x100: {  	v19 =	vld.idx.msk [tilespmem:v20+s21+$0x0], $0xffff;
	v31 =	vsub.f32 v11, v8;
	v8 =	vmax.f32 v22, $-5.000000000e+00;
	v11 =	vmin.f32 v12, $5.000000000e+00  }
0x101: {  	v30 =	vld.idx.msk [tilespmem:v17+s21+$0x0], $0xffff;
	v22 =	vmin.f32 v8, $5.000000000e+00;
	v11 =	vadd.f32 $5.000000000e+00, v11;
	v8 =	vcvt.f32.s32 v25  }
0x102: {  	v12 =	vld.idx.msk [tilespmem:v18+s15+$0x0], $0xffff;
	v9 =	vmax.f32 v9, $-5.000000000e+00;
	v21 =	vmul.f32 v31, v21;
	v22 =	vadd.f32 $5.000000000e+00, v22  }
0x103: {  	v9 =	vmin.f32 v9, $5.000000000e+00;
	v25 =	vmul.f32 $1.899999980e+00, v11;
	v11 =	vld.idx.msk [tilespmem:v20+s22+$0x0], $0xffff;
	v20 =	vmul.f32 v23, v13  }
0x104: {  	v17 =	vld.idx.msk [tilespmem:v17+s22+$0x0], $0xffff;
	[tilespmem:s14+$0x4280] =	vst v15;
	v9 =	vadd.f32 $5.000000000e+00, v9;
	v16 =	vadd.f32 v21, v16;
	v21 =	vmul.f32 $1.899999980e+00, v22  }
0x105: {  	v26 =	vld.idx.msk [tilespmem:v24+s20+$0x0], $0xffff;
	v15 =	vmul.f32 v14, v29;
	v19 =	vadd.f32 v20, v19;
	v20 =	vtrunc.f32 v25  }
0x106: {  	v29 =	vmax.f32 v55, $-5.000000000e+00;
	v22 =	vld.idx.msk [tilespmem:v18+s21+$0x0], $0xffff;
	v56 =	vmul.f32 $1.899999980e+00, v9;
	v23 =	vtrunc.f32 v21  }
0x107: {  	v15 =	vadd.f32 v15, v12;
	v12 =	vld.idx.msk [tilespmem:v24+s21+$0x0], $0xffff;
	v20 =	vcvt.f32.s32 v20;
	v13 =	vmul.f32 v19, v13  }
0x108: {  	v29 =	vmin.f32 v29, $5.000000000e+00;
	v9 =	vld.idx.msk [tilespmem:v24+s22+$0x0], $0xffff;
	v16 =	vmul.f32 v16, v31;
	v23 =	vcvt.f32.s32 v23  }
0x109: {  	v19 =	vld.idx.msk [tilespmem:v24+s15+$0x0], $0xffff;
	v15 =	vmul.f32 v15, v14;
	v24 =	vadd.f32 $5.000000000e+00, v29;
	v11 =	vadd.f32 v13, v11  }
0x10a: {  	v18 =	vld.idx.msk [tilespmem:v18+s22+$0x0], $0xffff;
	v13 =	vadd.f32 v16, v30;
	v16 =	vtrunc.f32 v56;
	v30 =	vcvt.s32.f32 v8  }
0x10b: {  	v15 =	vadd.f32 v15, v22;
	v22 =	vld [tilespmem:s2+$0x4290];
	v24 =	vmul.f32 $1.899999980e+00, v24;
	v57 =	vcvt.s32.f32 v23  }
0x10c: {  	v29 =	vld [tilespmem:s31+$0x4310];
	v16 =	vcvt.f32.s32 v16;
	[tilespmem:s29+$0x4290] =	vst v11;
	v13 =	vmul.f32 v13, v31  }
0x10d: {  	v11 =	vsub.f32 v10, v28;
	v10 =	vsub.f32 v27, v30;
	v14 =	vmul.f32 v15, v14;
	v28 =	vld.idx.msk [tilespmem:v20+s20+$0x0], $0xffff  }
0x10e: {  	v27 =	vcvt.s32.f32 v20;
	v15 =	vld.idx.msk [tilespmem:v23+s20+$0x0], $0xffff;
	v30 =	vadd.f32 v13, v17;
	v17 =	vcvt.s32.f32 v16  }
0x10f: {  	v21 =	vsub.f32 v21, v57;
	v31 =	vld.idx.msk [tilespmem:v20+s15+$0x0], $0xffff;
	v26 =	vmul.f32 v11, v26;
	v13 =	vtrunc.f32 v24  }
0x110: {  	v25 =	vsub.f32 v25, v27;
	v27 =	vld.idx.msk [tilespmem:v23+s15+$0x0], $0xffff;
	v58 =	vadd.f32 v14, v18;
	v22 =	vmax.f32 v22, $-5.000000000e+00  }
0x111: {  	v62 =	vld [tilespmem:s2+$0x4300];
	v13 =	vcvt.f32.s32 v13;
	v14 =	vsub.f32 v56, v17;
	v22 =	vmin.f32 v22, $5.000000000e+00  }
0x112: {  	v17 =	vadd.f32 v26, v19;
	v19 =	vld.idx.msk [tilespmem:v16+s20+$0x0], $0xffff;
	v22 =	vadd.f32 $5.000000000e+00, v22;
	v18 =	vmul.f32 v25, v28  }
0x113: {  	v26 =	vcvt.s32.f32 v13;
	v28 =	vmax.f32 v29, $-5.000000000e+00;
	v29 =	vld.idx.msk [tilespmem:v20+s21+$0x0], $0xffff;
	v15 =	vmul.f32 v21, v15  }
0x114: {  	v60 =	vld.idx.msk [tilespmem:v23+s21+$0x0], $0xffff;
	v22 =	vmul.f32 $1.899999980e+00, v22;
	v31 =	vadd.f32 v18, v31;
	v18 =	vmin.f32 v28, $5.000000000e+00  }
0x115: {  	v61 =	vld.idx.msk [tilespmem:v16+s15+$0x0], $0xffff;
	v28 =	vadd.f32 v15, v27;
	v27 =	vadd.f32 $5.000000000e+00, v18;
	v18 =	vmul.f32 v17, v11  }
0x116: {  	v63 =	vld.idx.msk [tilespmem:v20+s22+$0x0], $0xffff;
	v15 =	vsub.f32 v24, v26;
	v24 =	vmax.f32 v59, $-5.000000000e+00;
	v20 =	vmul.f32 v31, v25  }
0x117: {  	v24 =	vmin.f32 v24, $5.000000000e+00;
	v17 =	vmul.f32 $1.899999980e+00, v27;
	v27 =	vld.idx.msk [tilespmem:v23+s22+$0x0], $0xffff;
	v23 =	vmul.f32 v28, v21  }
0x118: {  	v26 =	vld.idx.msk [tilespmem:v16+s21+$0x0], $0xffff;
	v19 =	vmul.f32 v14, v19;
	v28 =	vadd.f32 $5.000000000e+00, v24;
	v20 =	vadd.f32 v20, v29  }
0x119: {  	[tilespmem:s29+$0x4280] =	vst v58;
	v24 =	vld.idx.msk [tilespmem:v16+s22+$0x0], $0xffff;
	v29 =	vtrunc.f32 v22;
	v32 =	vadd.f32 v23, v60;
	v16 =	vtrunc.f32 v17  }
0x11a: {  	v33 =	vadd.f32 v19, v61;
	v19 =	vld.idx.msk [tilespmem:v8+s15+$0x0], $0xffff;
	v16 =	vcvt.f32.s32 v16;
	v25 =	vmul.f32 v20, v25  }
0x11b: {  	v31 =	vmax.f32 v62, $-5.000000000e+00;
	v23 =	vld.idx.msk [tilespmem:v8+s20+$0x0], $0xffff;
	v20 =	vcvt.f32.s32 v29;
	v29 =	vmul.f32 v32, v21  }
0x11c: {  	s4 =	simm.s32 $0x6;
	s17 =	simm.s32 $0x80;
	s0 =	simm.s32 $0x100;
	[tilespmem:s14+$0x4310] =	vst v30;
	v28 =	vmul.f32 $1.899999980e+00, v28;
	v30 =	vmul.f32 v33, v14;
	v21 =	vld.idx.msk [tilespmem:v8+s21+$0x0], $0xffff;
	v25 =	vadd.f32 v25, v63  }
.LBB2_5:
0x11d: {  	s12 =	sand.u32 $0x60, s17;
	s1 =	sand.u32 $0x3F00, s0;
	v31 =	vmin.f32 v31, $5.000000000e+00;
	v27 =	vadd.f32 v29, v27;
	v29 =	vld.idx.msk [tilespmem:v8+s22+$0x0], $0xffff;
	v12 =	vadd.f32 v18, v12;
	v8 =	vmovc v13  }
0x11e: {  	s1 =	sor.u32 s12, s1;
	v13 =	vtrunc.f32 v28;
	v18 =	vadd.f32 $5.000000000e+00, v31;
	v31 =	vld [tilespmem:s2+$0x4310];
	v26 =	vadd.f32 v30, v26;
	[tilespmem:s29+$0x4310] =	vst v25  }
0x11f: {  	v25 =	vld [tilespmem:s1+$0x4290];
	v30 =	vcvt.f32.s32 v13;
	[tilespmem:s31+$0x4290] =	vst v27;
	v34 =	vmul.f32 v12, v11;
	v11 =	vmovc v10;
	v10 =	vmov v15  }
0x120: {  	v15 =	vmul.f32 $1.899999980e+00, v18;
	v13 =	vmul.f32 v26, v14;
	v18 =	vld.idx.msk [tilespmem:v16+s20+$0x0], $0xffff  }
0x121: {  	s4 =	sadd.s32 $0x2, s4;
	v23 =	vmul.f32 v11, v23;
	v14 =	vcvt.s32.f32 v30;
	v26 =	vld.idx.msk [tilespmem:v20+s20+$0x0], $0xffff;
	v34 =	vadd.f32 v34, v9  }
0x122: {  	v32 =	vcvt.s32.f32 v16;
	p1 =	slt.u32 s4, $0x1FE;
	v12 =	vmovc v21;
	v27 =	vtrunc.f32 v15;
	v24 =	vadd.f32 v13, v24;
	v33 =	vld.idx.msk [tilespmem:v16+s15+$0x0], $0xffff  }
0x123: {  	v21 =	vcvt.s32.f32 v20;
	v9 =	vmovc v29;
	v14 =	vsub.f32 v28, v14;
	v13 =	vcvt.f32.s32 v27;
	v27 =	vld.idx.msk [tilespmem:v20+s15+$0x0], $0xffff;
	[tilespmem:s14+$0x4300] =	vst v34;
	s14 =	smov.u32 s29;
	s29 =	smov.u32 s31;
	s31 =	smov.u32 s2  }
0x124: {  	v29 =	vsub.f32 v17, v32;
	v17 =	vadd.f32 v23, v19;
	s2 =	smov.u32 s1;
	v28 =	vld [tilespmem:s1+$0x4280];
	[tilespmem:s29+$0x4280] =	vst v24  }
0x125: {  	v21 =	vsub.f32 v22, v21;
	v19 =	vld.idx.msk [tilespmem:v30+s20+$0x0], $0xffff;
	v23 =	vcvt.s32.f32 v13  }
0x126: {  	v22 =	vmax.f32 v31, $-5.000000000e+00;
	v31 =	vmul.f32 v29, v18;
	v18 =	vmul.f32 v17, v11;
	v24 =	vld.idx.msk [tilespmem:v16+s21+$0x0], $0xffff  }
0x127: {  	v22 =	vmin.f32 v22, $5.000000000e+00;
	v17 =	vmax.f32 v25, $-5.000000000e+00;
	v26 =	vmul.f32 v21, v26;
	v25 =	vld.idx.msk [tilespmem:v20+s21+$0x0], $0xffff  }
0x128: {  	v22 =	vadd.f32 $5.000000000e+00, v22;
	v17 =	vmin.f32 v17, $5.000000000e+00;
	v31 =	vadd.f32 v31, v33;
	v32 =	vld.idx.msk [tilespmem:v30+s15+$0x0], $0xffff  }
0x129: {  	v34 =	vadd.f32 $5.000000000e+00, v17;
	v26 =	vadd.f32 v26, v27;
	v28 =	vmax.f32 v28, $-5.000000000e+00;
	v33 =	vld [tilespmem:s2+$0x4300]  }
0x12a: {  	v17 =	vmul.f32 $1.899999980e+00, v22;
	v27 =	vmin.f32 v28, $5.000000000e+00;
	v35 =	vld.idx.msk [tilespmem:v16+s22+$0x0], $0xffff;
	v16 =	vmul.f32 v31, v29  }
0x12b: {  	v22 =	vmul.f32 $1.899999980e+00, v34;
	v28 =	vadd.f32 $5.000000000e+00, v27;
	v27 =	vld.idx.msk [tilespmem:v20+s22+$0x0], $0xffff;
	v20 =	vmul.f32 v26, v21  }
.Ltmp3:
0x12c: {  	v15 =	vsub.f32 v15, v23;
	v19 =	vmul.f32 v14, v19;
	v26 =	vld.idx.msk [tilespmem:v30+s21+$0x0], $0xffff;
	v31 =	vadd.f32 v16, v24;
	(pc) =	sbr.rel @p1 .LBB2_5-.Ltmp3, $4  }
0x12d: {  	v34 =	vtrunc.f32 v22;
	v16 =	vtrunc.f32 v17;
	v24 =	vld.idx.msk [tilespmem:v30+s22+$0x0], $0xffff;
	v25 =	vadd.f32 v20, v25  }
0x12e: {  	v30 =	vadd.f32 v19, v32;
	v16 =	vcvt.f32.s32 v16;
	v23 =	vld.idx.msk [tilespmem:v8+s20+$0x0], $0xffff;
	v32 =	vmul.f32 v31, v29  }
0x12f: {  	v20 =	vcvt.f32.s32 v34;
	v31 =	vmax.f32 v33, $-5.000000000e+00;
	v29 =	vmul.f32 v25, v21;
	v19 =	vld.idx.msk [tilespmem:v8+s15+$0x0], $0xffff  }
0x130: {  	s0 =	sadd.s32 $0x40, s0;
	s17 =	sadd.s32 $0x20, s17;
	v28 =	vmul.f32 $1.899999980e+00, v28;
	v30 =	vmul.f32 v30, v14;
	v21 =	vld.idx.msk [tilespmem:v8+s21+$0x0], $0xffff;
	v25 =	vadd.f32 v32, v35  }
0x131: {  	_ = 	snop  }
0x132: {  	v32 =	vtrunc.f32 v28  }
0x133: {  	v32 =	vcvt.f32.s32 v32;
	_ =	sdelay $0x2  }
0x134: {  	v33 =	vld [tilespmem:s2+$0x4310]  }
0x135: {  	v34 =	vld.idx.msk [tilespmem:v20+s20+$0x0], $0xffff  }
0x136: {  	v35 =	vcvt.s32.f32 v20;
	v36 =	vld.idx.msk [tilespmem:v20+s15+$0x0], $0xffff  }
0x137: {  	v37 =	vld.idx.msk [tilespmem:v32+s20+$0x0], $0xffff  }
0x138: {  	v22 =	vsub.f32 v22, v35;
	v38 =	vcvt.s32.f32 v32  }
0x139: {  	v46 =	vld.idx.msk [tilespmem:v32+s15+$0x0], $0xffff  }
0x13a: {  	v33 =	vmax.f32 v33, $-5.000000000e+00;
	v34 =	vmul.f32 v22, v34;
	v28 =	vsub.f32 v28, v38  }
0x13b: {  	v31 =	vmin.f32 v31, $5.000000000e+00;
	v47 =	vld.idx.msk [tilespmem:v20+s21+$0x0], $0xffff;
	v33 =	vmin.f32 v33, $5.000000000e+00  }
0x13c: {  	v33 =	vadd.f32 $5.000000000e+00, v33;
	v34 =	vadd.f32 v34, v36;
	v48 =	vmul.f32 v28, v37  }
0x13d: {  	v31 =	vadd.f32 $5.000000000e+00, v31;
	v49 =	vld.idx.msk [tilespmem:v32+s21+$0x0], $0xffff  }
0x13e: {  	v33 =	vmul.f32 $1.899999980e+00, v33;
	v34 =	vmul.f32 v34, v22;
	v35 =	vadd.f32 v48, v46  }
0x13f: {  	v27 =	vadd.f32 v29, v27;
	v20 =	vld.idx.msk [tilespmem:v20+s22+$0x0], $0xffff;
	v26 =	vadd.f32 v30, v26;
	v29 =	vmul.f32 $1.899999980e+00, v31  }
0x140: {  	v30 =	vadd.f32 v34, v47;
	v31 =	vtrunc.f32 v33;
	v50 =	vmul.f32 v35, v28  }
0x141: {  	v14 =	vmul.f32 v26, v14;
	v26 =	vld.idx.msk [tilespmem:v32+s22+$0x0], $0xffff;
	v31 =	vcvt.f32.s32 v31  }
0x142: {  	v8 =	vld.idx.msk [tilespmem:v8+s22+$0x0], $0xffff;
	[tilespmem:s31+$0x4290] =	vst v27;
	v27 =	vtrunc.f32 v29;
	v22 =	vmul.f32 v30, v22;
	v30 =	vadd.f32 v50, v49  }
0x143: {  	v51 =	vld.idx.msk [tilespmem:v16+s20+$0x0], $0xffff;
	v14 =	vadd.f32 v14, v24;
	v24 =	vcvt.f32.s32 v27  }
0x144: {  	v27 =	vld.idx.msk [tilespmem:v16+s15+$0x0], $0xffff;
	v20 =	vadd.f32 v22, v20;
	v22 =	vmul.f32 v30, v28  }
0x145: {  	[tilespmem:s31+$0x4280] =	vst v14;
	v14 =	vld.idx.msk [tilespmem:v16+s21+$0x0], $0xffff  }
0x146: {  	[tilespmem:s2+$0x4290] =	vst v20;
	v28 =	vcvt.s32.f32 v16;
	v30 =	vld.idx.msk [tilespmem:v13+s20+$0x0], $0xffff;
	v20 =	vadd.f32 v22, v26  }
0x147: {  	v22 =	vld.idx.msk [tilespmem:v31+s20+$0x0], $0xffff  }
0x148: {  	v17 =	vsub.f32 v17, v28;
	v26 =	vcvt.s32.f32 v31;
	v28 =	vld.idx.msk [tilespmem:v31+s15+$0x0], $0xffff;
	[tilespmem:s2+$0x4280] =	vst v20  }
0x149: {  	v23 =	vmul.f32 v10, v23;
	v20 =	vld.idx.msk [tilespmem:v24+s20+$0x0], $0xffff  }
0x14a: {  	v52 =	vcvt.s32.f32 v24;
	v53 =	vld.idx.msk [tilespmem:v13+s15+$0x0], $0xffff;
	v32 =	vmul.f32 v17, v51;
	v26 =	vsub.f32 v33, v26  }
0x14b: {  	v19 =	vadd.f32 v23, v19;
	v54 =	vld.idx.msk [tilespmem:v24+s15+$0x0], $0xffff  }
0x14c: {  	v29 =	vsub.f32 v29, v52;
	v16 =	vld.idx.msk [tilespmem:v16+s22+$0x0], $0xffff;
	v27 =	vadd.f32 v32, v27;
	v22 =	vmul.f32 v26, v22  }
0x14d: {  	v12 =	vadd.f32 v18, v12;
	v18 =	vmul.f32 v19, v10;
	v23 =	vmul.f32 v15, v30;
	v30 =	vld.idx.msk [tilespmem:v31+s21+$0x0], $0xffff  }
0x14e: {  	v27 =	vmul.f32 v27, v17;
	v22 =	vadd.f32 v22, v28;
	v28 =	vld.idx.msk [tilespmem:v13+s21+$0x0], $0xffff;
	v20 =	vmul.f32 v29, v20  }
0x14f: {  	v11 =	vmul.f32 v12, v11;
	v12 =	vadd.f32 v18, v21;
	v19 =	vadd.f32 v23, v53;
	v23 =	vld.idx.msk [tilespmem:v24+s21+$0x0], $0xffff  }
0x150: {  	v14 =	vadd.f32 v27, v14;
	v22 =	vmul.f32 v22, v26;
	v20 =	vadd.f32 v20, v54  }
0x151: {  	v9 =	vadd.f32 v11, v9;
	v10 =	vmul.f32 v12, v10;
	v18 =	vmul.f32 v19, v15;
	v19 =	vld.idx.msk [tilespmem:v31+s22+$0x0], $0xffff  }
0x152: {  	v13 =	vld.idx.msk [tilespmem:v13+s22+$0x0], $0xffff;
	v14 =	vmul.f32 v14, v17;
	v17 =	vadd.f32 v22, v30;
	v20 =	vmul.f32 v20, v29  }
0x153: {  	v8 =	vadd.f32 v10, v8;
	v11 =	vld.idx.msk [tilespmem:v24+s22+$0x0], $0xffff;
	v12 =	vadd.f32 v18, v28  }
0x154: {  	[tilespmem:s29+$0x4310] =	vst v25;
	v14 =	vadd.f32 v14, v16;
	v16 =	vmul.f32 v17, v26;
	v17 =	vadd.f32 v20, v23  }
0x155: {  	[tilespmem:s14+$0x4300] =	vst v9;
	v9 =	vmul.f32 v12, v15  }
0x156: {  	[tilespmem:s29+$0x4300] =	vst v8;
	v10 =	vadd.f32 v16, v19;
	v12 =	vmul.f32 v17, v29  }
0x157: {  	[tilespmem:s31+$0x4310] =	vst v14;
	v8 =	vadd.f32 v9, v13  }
0x158: {  	[tilespmem:s2+$0x4310] =	vst v10;
	v9 =	vadd.f32 v12, v11  }
0x159: {  	[tilespmem:s31+$0x4300] =	vst v8  }
0x15a: {  	s0 =	sadd.s32 s13, s10;
	[tilespmem:s2+$0x4300] =	vst v9  }
0x15b: {  	[hbm4b:s0+s15] =	stream.strided.scatter [tilespmem:s18], [sflag:$0x6], $0x4000, s16, s15, $0x38;
	[tilespmem:$0x10280] =	vst v63  }
0x15c: {  	s0 =	simm.s32 @!p0 $0x8  }
0x15d: {  	_ =	swait.ge @!p0 [sflag:s0], $0x4000  }
0x15e: {  	s13 =	sor.u32 $0x60, s13;
	[sflag:s0] =	ssyncset.done @!p0 $0x0  }
0x15f: {  	s2 =	sadd.s32 s5, s13;
	[sflag:s0] =	ssyncadd.s32 @!p0 $0xFFFFC000  }
0x160: {  	[tilespmem:s25], [sflag:$0x4] =	stream.strided.gather [hbm4b:s2+s15], $0x4000, s16, s15, $0x38;
	[tilespmem:$0x10280] =	vst v63  }
0x161: {  	s4 =	simm.s32 $0x0;
	_ =	swait.ge [sflag:s26], $0x4000  }
0x162: {  	s1 =	sand.u32 $0x60, s4;
	s0 =	sand.u32 $0x3F00, s4;
	[sflag:s26] =	ssyncset.done $0x0  }
0x163: {  	s14 =	sor.u32 s1, s0;
	[sflag:s26] =	ssyncadd.s32 $0xFFFFC000  }
0x164: {  	v8 =	vld [tilespmem:s14+$0x8290];
	_ =	sdelay $0x4  }
0x165: {  	v8 =	vmax.f32 v8, $-5.000000000e+00  }
0x166: {  	v8 =	vmin.f32 v8, $5.000000000e+00  }
0x167: {  	v8 =	vadd.f32 $5.000000000e+00, v8  }
0x168: {  	v9 =	vld [tilespmem:s14+$0x8280]  }
0x169: {  	v8 =	vmul.f32 $1.899999980e+00, v8;
	_ =	sdelay $0x1  }
0x16a: {  	v10 =	vtrunc.f32 v8  }
0x16b: {  	s12 =	simm.s32 $0x40;
	s17 =	simm.s32 $0x20;
	v10 =	vcvt.f32.s32 v10  }
0x16c: {  	s1 =	sand.u32 $0x60, s17;
	s0 =	sand.u32 $0x3F00, s12;
	v9 =	vmax.f32 v9, $-5.000000000e+00  }
0x16d: {  	s29 =	sor.u32 s1, s0;
	v9 =	vmin.f32 v9, $5.000000000e+00  }
0x16e: {  	v13 =	vld [tilespmem:s29+$0x8290];
	v9 =	vadd.f32 $5.000000000e+00, v9;
	_ =	sdelay $0x1  }
0x16f: {  	v9 =	vmul.f32 $1.899999980e+00, v9  }
0x170: {  	v12 =	vld.idx.msk [tilespmem:v10+s20+$0x0], $0xffff  }
0x171: {  	v15 =	vtrunc.f32 v9;
	v14 =	vcvt.s32.f32 v10  }
0x172: {  	v13 =	vmax.f32 v13, $-5.000000000e+00;
	v15 =	vcvt.f32.s32 v15;
	v16 =	vld.idx.msk [tilespmem:v10+s15+$0x0], $0xffff  }
0x173: {  	v11 =	vld [tilespmem:s14+$0x8310];
	v13 =	vmin.f32 v13, $5.000000000e+00;
	v8 =	vsub.f32 v8, v14  }
0x174: {  	v13 =	vadd.f32 $5.000000000e+00, v13  }
0x175: {  	v14 =	vld [tilespmem:s29+$0x8280];
	v12 =	vmul.f32 v8, v12  }
0x176: {  	v13 =	vmul.f32 $1.899999980e+00, v13;
	v17 =	vld.idx.msk [tilespmem:v10+s21+$0x0], $0xffff  }
0x177: {  	v12 =	vadd.f32 v12, v16  }
0x178: {  	v11 =	vmax.f32 v11, $-5.000000000e+00;
	v20 =	vtrunc.f32 v13;
	v19 =	vld.idx.msk [tilespmem:v15+s20+$0x0], $0xffff  }
0x179: {  	v11 =	vmin.f32 v11, $5.000000000e+00;
	v18 =	vcvt.s32.f32 v15;
	v16 =	vld [tilespmem:s14+$0x8300];
	v12 =	vmul.f32 v12, v8  }
0x17a: {  	v11 =	vadd.f32 $5.000000000e+00, v11;
	v20 =	vcvt.f32.s32 v20;
	v10 =	vld.idx.msk [tilespmem:v10+s22+$0x0], $0xffff;
	v14 =	vmax.f32 v14, $-5.000000000e+00  }
0x17b: {  	s4 =	simm.s32 $0x40;
	s2 =	simm.s32 $0x80;
	v9 =	vsub.f32 v9, v18;
	v18 =	vld.idx.msk [tilespmem:v15+s15+$0x0], $0xffff;
	v14 =	vmin.f32 v14, $5.000000000e+00;
	v12 =	vadd.f32 v12, v17  }
0x17c: {  	s1 =	sand.u32 $0x60, s4;
	s0 =	sand.u32 $0x3F00, s2;
	v14 =	vadd.f32 $5.000000000e+00, v14  }
0x17d: {  	s31 =	sor.u32 s1, s0;
	v21 =	vld [tilespmem:s29+$0x8300];
	v11 =	vmul.f32 $1.899999980e+00, v11;
	v8 =	vmul.f32 v12, v8  }
0x17e: {  	v22 =	vld [tilespmem:s31+$0x8290];
	v19 =	vmul.f32 v9, v19;
	v14 =	vmul.f32 $1.899999980e+00, v14;
	v12 =	vmax.f32 v16, $-5.000000000e+00  }
0x17f: {  	v17 =	vtrunc.f32 v11;
	v16 =	vld.idx.msk [tilespmem:v15+s21+$0x0], $0xffff;
	v12 =	vmin.f32 v12, $5.000000000e+00;
	v8 =	vadd.f32 v8, v10  }
0x180: {  	v23 =	vld.idx.msk [tilespmem:v20+s20+$0x0], $0xffff;
	v17 =	vcvt.f32.s32 v17;
	v10 =	vadd.f32 $5.000000000e+00, v12;
	v12 =	vadd.f32 v19, v18  }
0x181: {  	v55 =	vld [tilespmem:s31+$0x8300];
	v25 =	vcvt.s32.f32 v20;
	v18 =	vtrunc.f32 v14  }
0x182: {  	s12 =	simm.s32 $0xC0;
	s17 =	simm.s32 $0x60;
	v26 =	vld.idx.msk [tilespmem:v20+s15+$0x0], $0xffff;
	[tilespmem:s14+$0x8290] =	vst v8;
	v10 =	vmul.f32 $1.899999980e+00, v10;
	v8 =	vmax.f32 v21, $-5.000000000e+00;
	v12 =	vmul.f32 v12, v9  }
0x183: {  	s1 =	sand.u32 $0x60, s17;
	s0 =	sand.u32 $0x3F00, s12;
	v13 =	vsub.f32 v13, v25;
	v15 =	vld.idx.msk [tilespmem:v15+s22+$0x0], $0xffff;
	v18 =	vcvt.f32.s32 v18;
	v8 =	vmin.f32 v8, $5.000000000e+00  }
0x184: {  	s2 =	sor.u32 s1, s0;
	v19 =	vld [tilespmem:s29+$0x8310];
	v24 =	vtrunc.f32 v10;
	v8 =	vadd.f32 $5.000000000e+00, v8;
	v12 =	vadd.f32 v12, v16  }
0x185: {  	v59 =	vld [tilespmem:s2+$0x8280];
	v23 =	vmul.f32 v13, v23;
	v24 =	vcvt.f32.s32 v24  }
0x186: {  	v21 =	vld.idx.msk [tilespmem:v17+s20+$0x0], $0xffff;
	v27 =	vmul.f32 $1.899999980e+00, v8;
	v8 =	vmul.f32 v12, v9  }
0x187: {  	v23 =	vadd.f32 v23, v26;
	v9 =	vld [tilespmem:s31+$0x8280];
	v12 =	vcvt.s32.f32 v18  }
0x188: {  	v16 =	vld.idx.msk [tilespmem:v17+s15+$0x0], $0xffff;
	v28 =	vcvt.s32.f32 v24;
	v15 =	vadd.f32 v8, v15;
	v8 =	vcvt.s32.f32 v17  }
0x189: {  	v29 =	vld.idx.msk [tilespmem:v18+s20+$0x0], $0xffff;
	v25 =	vtrunc.f32 v27;
	v14 =	vsub.f32 v14, v12;
	v12 =	vmax.f32 v19, $-5.000000000e+00  }
0x18a: {  	v19 =	vld.idx.msk [tilespmem:v20+s21+$0x0], $0xffff;
	v31 =	vsub.f32 v11, v8;
	v8 =	vmax.f32 v22, $-5.000000000e+00;
	v11 =	vmin.f32 v12, $5.000000000e+00  }
0x18b: {  	v30 =	vld.idx.msk [tilespmem:v17+s21+$0x0], $0xffff;
	v22 =	vmin.f32 v8, $5.000000000e+00;
	v11 =	vadd.f32 $5.000000000e+00, v11;
	v8 =	vcvt.f32.s32 v25  }
0x18c: {  	v12 =	vld.idx.msk [tilespmem:v18+s15+$0x0], $0xffff;
	v9 =	vmax.f32 v9, $-5.000000000e+00;
	v21 =	vmul.f32 v31, v21;
	v22 =	vadd.f32 $5.000000000e+00, v22  }
0x18d: {  	v9 =	vmin.f32 v9, $5.000000000e+00;
	v25 =	vmul.f32 $1.899999980e+00, v11;
	v11 =	vld.idx.msk [tilespmem:v20+s22+$0x0], $0xffff;
	v20 =	vmul.f32 v23, v13  }
0x18e: {  	v17 =	vld.idx.msk [tilespmem:v17+s22+$0x0], $0xffff;
	[tilespmem:s14+$0x8280] =	vst v15;
	v9 =	vadd.f32 $5.000000000e+00, v9;
	v16 =	vadd.f32 v21, v16;
	v21 =	vmul.f32 $1.899999980e+00, v22  }
0x18f: {  	v26 =	vld.idx.msk [tilespmem:v24+s20+$0x0], $0xffff;
	v15 =	vmul.f32 v14, v29;
	v19 =	vadd.f32 v20, v19;
	v20 =	vtrunc.f32 v25  }
0x190: {  	v29 =	vmax.f32 v55, $-5.000000000e+00;
	v22 =	vld.idx.msk [tilespmem:v18+s21+$0x0], $0xffff;
	v56 =	vmul.f32 $1.899999980e+00, v9;
	v23 =	vtrunc.f32 v21  }
0x191: {  	v15 =	vadd.f32 v15, v12;
	v12 =	vld.idx.msk [tilespmem:v24+s21+$0x0], $0xffff;
	v20 =	vcvt.f32.s32 v20;
	v13 =	vmul.f32 v19, v13  }
0x192: {  	v29 =	vmin.f32 v29, $5.000000000e+00;
	v9 =	vld.idx.msk [tilespmem:v24+s22+$0x0], $0xffff;
	v16 =	vmul.f32 v16, v31;
	v23 =	vcvt.f32.s32 v23  }
0x193: {  	v19 =	vld.idx.msk [tilespmem:v24+s15+$0x0], $0xffff;
	v15 =	vmul.f32 v15, v14;
	v24 =	vadd.f32 $5.000000000e+00, v29;
	v11 =	vadd.f32 v13, v11  }
0x194: {  	v18 =	vld.idx.msk [tilespmem:v18+s22+$0x0], $0xffff;
	v13 =	vadd.f32 v16, v30;
	v16 =	vtrunc.f32 v56;
	v30 =	vcvt.s32.f32 v8  }
0x195: {  	v15 =	vadd.f32 v15, v22;
	v22 =	vld [tilespmem:s2+$0x8290];
	v24 =	vmul.f32 $1.899999980e+00, v24;
	v57 =	vcvt.s32.f32 v23  }
0x196: {  	v29 =	vld [tilespmem:s31+$0x8310];
	v16 =	vcvt.f32.s32 v16;
	[tilespmem:s29+$0x8290] =	vst v11;
	v13 =	vmul.f32 v13, v31  }
0x197: {  	v11 =	vsub.f32 v10, v28;
	v10 =	vsub.f32 v27, v30;
	v14 =	vmul.f32 v15, v14;
	v28 =	vld.idx.msk [tilespmem:v20+s20+$0x0], $0xffff  }
0x198: {  	v27 =	vcvt.s32.f32 v20;
	v15 =	vld.idx.msk [tilespmem:v23+s20+$0x0], $0xffff;
	v30 =	vadd.f32 v13, v17;
	v17 =	vcvt.s32.f32 v16  }
0x199: {  	v21 =	vsub.f32 v21, v57;
	v31 =	vld.idx.msk [tilespmem:v20+s15+$0x0], $0xffff;
	v26 =	vmul.f32 v11, v26;
	v13 =	vtrunc.f32 v24  }
0x19a: {  	v25 =	vsub.f32 v25, v27;
	v27 =	vld.idx.msk [tilespmem:v23+s15+$0x0], $0xffff;
	v58 =	vadd.f32 v14, v18;
	v22 =	vmax.f32 v22, $-5.000000000e+00  }
0x19b: {  	v62 =	vld [tilespmem:s2+$0x8300];
	v13 =	vcvt.f32.s32 v13;
	v14 =	vsub.f32 v56, v17;
	v22 =	vmin.f32 v22, $5.000000000e+00  }
0x19c: {  	v17 =	vadd.f32 v26, v19;
	v19 =	vld.idx.msk [tilespmem:v16+s20+$0x0], $0xffff;
	v22 =	vadd.f32 $5.000000000e+00, v22;
	v18 =	vmul.f32 v25, v28  }
0x19d: {  	v26 =	vcvt.s32.f32 v13;
	v28 =	vmax.f32 v29, $-5.000000000e+00;
	v29 =	vld.idx.msk [tilespmem:v20+s21+$0x0], $0xffff;
	v15 =	vmul.f32 v21, v15  }
0x19e: {  	v60 =	vld.idx.msk [tilespmem:v23+s21+$0x0], $0xffff;
	v22 =	vmul.f32 $1.899999980e+00, v22;
	v31 =	vadd.f32 v18, v31;
	v18 =	vmin.f32 v28, $5.000000000e+00  }
0x19f: {  	v61 =	vld.idx.msk [tilespmem:v16+s15+$0x0], $0xffff;
	v28 =	vadd.f32 v15, v27;
	v27 =	vadd.f32 $5.000000000e+00, v18;
	v18 =	vmul.f32 v17, v11  }
0x1a0: {  	v63 =	vld.idx.msk [tilespmem:v20+s22+$0x0], $0xffff;
	v15 =	vsub.f32 v24, v26;
	v24 =	vmax.f32 v59, $-5.000000000e+00;
	v20 =	vmul.f32 v31, v25  }
0x1a1: {  	v24 =	vmin.f32 v24, $5.000000000e+00;
	v17 =	vmul.f32 $1.899999980e+00, v27;
	v27 =	vld.idx.msk [tilespmem:v23+s22+$0x0], $0xffff;
	v23 =	vmul.f32 v28, v21  }
0x1a2: {  	v26 =	vld.idx.msk [tilespmem:v16+s21+$0x0], $0xffff;
	v19 =	vmul.f32 v14, v19;
	v28 =	vadd.f32 $5.000000000e+00, v24;
	v20 =	vadd.f32 v20, v29  }
0x1a3: {  	[tilespmem:s29+$0x8280] =	vst v58;
	v24 =	vld.idx.msk [tilespmem:v16+s22+$0x0], $0xffff;
	v29 =	vtrunc.f32 v22;
	v32 =	vadd.f32 v23, v60;
	v16 =	vtrunc.f32 v17  }
0x1a4: {  	v33 =	vadd.f32 v19, v61;
	v19 =	vld.idx.msk [tilespmem:v8+s15+$0x0], $0xffff;
	v16 =	vcvt.f32.s32 v16;
	v25 =	vmul.f32 v20, v25  }
0x1a5: {  	v31 =	vmax.f32 v62, $-5.000000000e+00;
	v23 =	vld.idx.msk [tilespmem:v8+s20+$0x0], $0xffff;
	v20 =	vcvt.f32.s32 v29;
	v29 =	vmul.f32 v32, v21  }
0x1a6: {  	s4 =	simm.s32 $0x6;
	s17 =	simm.s32 $0x80;
	s0 =	simm.s32 $0x100;
	[tilespmem:s14+$0x8310] =	vst v30;
	v28 =	vmul.f32 $1.899999980e+00, v28;
	v30 =	vmul.f32 v33, v14;
	v21 =	vld.idx.msk [tilespmem:v8+s21+$0x0], $0xffff;
	v25 =	vadd.f32 v25, v63  }
.LBB2_7:
0x1a7: {  	s1 =	sand.u32 $0x60, s17;
	s12 =	sand.u32 $0x3F00, s0;
	v31 =	vmin.f32 v31, $5.000000000e+00;
	v27 =	vadd.f32 v29, v27;
	v29 =	vld.idx.msk [tilespmem:v8+s22+$0x0], $0xffff;
	v12 =	vadd.f32 v18, v12;
	v8 =	vmovc v13  }
0x1a8: {  	s1 =	sor.u32 s1, s12;
	v13 =	vtrunc.f32 v28;
	v18 =	vadd.f32 $5.000000000e+00, v31;
	v31 =	vld [tilespmem:s2+$0x8310];
	v26 =	vadd.f32 v30, v26;
	[tilespmem:s29+$0x8310] =	vst v25  }
0x1a9: {  	v25 =	vld [tilespmem:s1+$0x8290];
	v30 =	vcvt.f32.s32 v13;
	[tilespmem:s31+$0x8290] =	vst v27;
	v34 =	vmul.f32 v12, v11;
	v11 =	vmovc v10;
	v10 =	vmov v15  }
0x1aa: {  	v15 =	vmul.f32 $1.899999980e+00, v18;
	v13 =	vmul.f32 v26, v14;
	v18 =	vld.idx.msk [tilespmem:v16+s20+$0x0], $0xffff  }
0x1ab: {  	s4 =	sadd.s32 $0x2, s4;
	v23 =	vmul.f32 v11, v23;
	v14 =	vcvt.s32.f32 v30;
	v26 =	vld.idx.msk [tilespmem:v20+s20+$0x0], $0xffff;
	v34 =	vadd.f32 v34, v9  }
0x1ac: {  	v32 =	vcvt.s32.f32 v16;
	p0 =	slt.u32 s4, $0x1FE;
	v12 =	vmovc v21;
	v27 =	vtrunc.f32 v15;
	v24 =	vadd.f32 v13, v24;
	v33 =	vld.idx.msk [tilespmem:v16+s15+$0x0], $0xffff  }
0x1ad: {  	v21 =	vcvt.s32.f32 v20;
	v9 =	vmovc v29;
	v14 =	vsub.f32 v28, v14;
	v13 =	vcvt.f32.s32 v27;
	v27 =	vld.idx.msk [tilespmem:v20+s15+$0x0], $0xffff;
	[tilespmem:s14+$0x8300] =	vst v34;
	s14 =	smov.u32 s29;
	s29 =	smov.u32 s31;
	s31 =	smov.u32 s2  }
0x1ae: {  	v29 =	vsub.f32 v17, v32;
	v17 =	vadd.f32 v23, v19;
	s2 =	smov.u32 s1;
	v28 =	vld [tilespmem:s1+$0x8280];
	[tilespmem:s29+$0x8280] =	vst v24  }
0x1af: {  	v21 =	vsub.f32 v22, v21;
	v19 =	vld.idx.msk [tilespmem:v30+s20+$0x0], $0xffff;
	v23 =	vcvt.s32.f32 v13  }
0x1b0: {  	v22 =	vmax.f32 v31, $-5.000000000e+00;
	v31 =	vmul.f32 v29, v18;
	v18 =	vmul.f32 v17, v11;
	v24 =	vld.idx.msk [tilespmem:v16+s21+$0x0], $0xffff  }
0x1b1: {  	v22 =	vmin.f32 v22, $5.000000000e+00;
	v17 =	vmax.f32 v25, $-5.000000000e+00;
	v26 =	vmul.f32 v21, v26;
	v25 =	vld.idx.msk [tilespmem:v20+s21+$0x0], $0xffff  }
0x1b2: {  	v22 =	vadd.f32 $5.000000000e+00, v22;
	v17 =	vmin.f32 v17, $5.000000000e+00;
	v31 =	vadd.f32 v31, v33;
	v32 =	vld.idx.msk [tilespmem:v30+s15+$0x0], $0xffff  }
0x1b3: {  	v34 =	vadd.f32 $5.000000000e+00, v17;
	v26 =	vadd.f32 v26, v27;
	v28 =	vmax.f32 v28, $-5.000000000e+00;
	v33 =	vld [tilespmem:s2+$0x8300]  }
0x1b4: {  	v17 =	vmul.f32 $1.899999980e+00, v22;
	v27 =	vmin.f32 v28, $5.000000000e+00;
	v35 =	vld.idx.msk [tilespmem:v16+s22+$0x0], $0xffff;
	v16 =	vmul.f32 v31, v29  }
0x1b5: {  	v22 =	vmul.f32 $1.899999980e+00, v34;
	v28 =	vadd.f32 $5.000000000e+00, v27;
	v27 =	vld.idx.msk [tilespmem:v20+s22+$0x0], $0xffff;
	v20 =	vmul.f32 v26, v21  }
.Ltmp4:
0x1b6: {  	v15 =	vsub.f32 v15, v23;
	v19 =	vmul.f32 v14, v19;
	v26 =	vld.idx.msk [tilespmem:v30+s21+$0x0], $0xffff;
	v31 =	vadd.f32 v16, v24;
	(pc) =	sbr.rel @p0 .LBB2_7-.Ltmp4, $4  }
0x1b7: {  	v34 =	vtrunc.f32 v22;
	v16 =	vtrunc.f32 v17;
	v24 =	vld.idx.msk [tilespmem:v30+s22+$0x0], $0xffff;
	v25 =	vadd.f32 v20, v25  }
0x1b8: {  	v30 =	vadd.f32 v19, v32;
	v16 =	vcvt.f32.s32 v16;
	v23 =	vld.idx.msk [tilespmem:v8+s20+$0x0], $0xffff;
	v32 =	vmul.f32 v31, v29  }
0x1b9: {  	v20 =	vcvt.f32.s32 v34;
	v31 =	vmax.f32 v33, $-5.000000000e+00;
	v29 =	vmul.f32 v25, v21;
	v19 =	vld.idx.msk [tilespmem:v8+s15+$0x0], $0xffff  }
0x1ba: {  	s0 =	sadd.s32 $0x40, s0;
	s17 =	sadd.s32 $0x20, s17;
	v28 =	vmul.f32 $1.899999980e+00, v28;
	v30 =	vmul.f32 v30, v14;
	v21 =	vld.idx.msk [tilespmem:v8+s21+$0x0], $0xffff;
	v25 =	vadd.f32 v32, v35  }
0x1bb: {  	_ = 	snop  }
0x1bc: {  	v32 =	vtrunc.f32 v28  }
0x1bd: {  	v32 =	vcvt.f32.s32 v32;
	_ =	sdelay $0x2  }
0x1be: {  	v33 =	vld [tilespmem:s2+$0x8310]  }
0x1bf: {  	v34 =	vld.idx.msk [tilespmem:v20+s20+$0x0], $0xffff  }
0x1c0: {  	v35 =	vcvt.s32.f32 v20;
	v36 =	vld.idx.msk [tilespmem:v20+s15+$0x0], $0xffff  }
0x1c1: {  	v37 =	vld.idx.msk [tilespmem:v32+s20+$0x0], $0xffff  }
0x1c2: {  	v22 =	vsub.f32 v22, v35;
	v38 =	vcvt.s32.f32 v32  }
0x1c3: {  	v46 =	vld.idx.msk [tilespmem:v32+s15+$0x0], $0xffff  }
0x1c4: {  	v33 =	vmax.f32 v33, $-5.000000000e+00;
	v34 =	vmul.f32 v22, v34;
	v28 =	vsub.f32 v28, v38  }
0x1c5: {  	v31 =	vmin.f32 v31, $5.000000000e+00;
	v47 =	vld.idx.msk [tilespmem:v20+s21+$0x0], $0xffff;
	v33 =	vmin.f32 v33, $5.000000000e+00  }
0x1c6: {  	v33 =	vadd.f32 $5.000000000e+00, v33;
	v34 =	vadd.f32 v34, v36;
	v48 =	vmul.f32 v28, v37  }
0x1c7: {  	v31 =	vadd.f32 $5.000000000e+00, v31;
	v49 =	vld.idx.msk [tilespmem:v32+s21+$0x0], $0xffff  }
0x1c8: {  	v33 =	vmul.f32 $1.899999980e+00, v33;
	v34 =	vmul.f32 v34, v22;
	v35 =	vadd.f32 v48, v46  }
0x1c9: {  	v27 =	vadd.f32 v29, v27;
	v20 =	vld.idx.msk [tilespmem:v20+s22+$0x0], $0xffff;
	v26 =	vadd.f32 v30, v26;
	v29 =	vmul.f32 $1.899999980e+00, v31  }
0x1ca: {  	v30 =	vadd.f32 v34, v47;
	v31 =	vtrunc.f32 v33;
	v50 =	vmul.f32 v35, v28  }
0x1cb: {  	v14 =	vmul.f32 v26, v14;
	v26 =	vld.idx.msk [tilespmem:v32+s22+$0x0], $0xffff;
	v31 =	vcvt.f32.s32 v31  }
0x1cc: {  	v8 =	vld.idx.msk [tilespmem:v8+s22+$0x0], $0xffff;
	[tilespmem:s31+$0x8290] =	vst v27;
	v27 =	vtrunc.f32 v29;
	v22 =	vmul.f32 v30, v22;
	v30 =	vadd.f32 v50, v49  }
0x1cd: {  	v51 =	vld.idx.msk [tilespmem:v16+s20+$0x0], $0xffff;
	v14 =	vadd.f32 v14, v24;
	v24 =	vcvt.f32.s32 v27  }
0x1ce: {  	v27 =	vld.idx.msk [tilespmem:v16+s15+$0x0], $0xffff;
	v20 =	vadd.f32 v22, v20;
	v22 =	vmul.f32 v30, v28  }
0x1cf: {  	[tilespmem:s31+$0x8280] =	vst v14;
	v14 =	vld.idx.msk [tilespmem:v16+s21+$0x0], $0xffff  }
0x1d0: {  	[tilespmem:s2+$0x8290] =	vst v20;
	v28 =	vcvt.s32.f32 v16;
	v30 =	vld.idx.msk [tilespmem:v13+s20+$0x0], $0xffff;
	v20 =	vadd.f32 v22, v26  }
0x1d1: {  	v22 =	vld.idx.msk [tilespmem:v31+s20+$0x0], $0xffff  }
0x1d2: {  	v17 =	vsub.f32 v17, v28;
	v26 =	vcvt.s32.f32 v31;
	v28 =	vld.idx.msk [tilespmem:v31+s15+$0x0], $0xffff;
	[tilespmem:s2+$0x8280] =	vst v20  }
0x1d3: {  	v23 =	vmul.f32 v10, v23;
	v20 =	vld.idx.msk [tilespmem:v24+s20+$0x0], $0xffff  }
0x1d4: {  	v52 =	vcvt.s32.f32 v24;
	v53 =	vld.idx.msk [tilespmem:v13+s15+$0x0], $0xffff;
	v32 =	vmul.f32 v17, v51;
	v26 =	vsub.f32 v33, v26  }
0x1d5: {  	v19 =	vadd.f32 v23, v19;
	v54 =	vld.idx.msk [tilespmem:v24+s15+$0x0], $0xffff  }
0x1d6: {  	v29 =	vsub.f32 v29, v52;
	v16 =	vld.idx.msk [tilespmem:v16+s22+$0x0], $0xffff;
	v27 =	vadd.f32 v32, v27;
	v22 =	vmul.f32 v26, v22  }
0x1d7: {  	v12 =	vadd.f32 v18, v12;
	v18 =	vmul.f32 v19, v10;
	v23 =	vmul.f32 v15, v30;
	v30 =	vld.idx.msk [tilespmem:v31+s21+$0x0], $0xffff  }
0x1d8: {  	v27 =	vmul.f32 v27, v17;
	v22 =	vadd.f32 v22, v28;
	v28 =	vld.idx.msk [tilespmem:v13+s21+$0x0], $0xffff;
	v20 =	vmul.f32 v29, v20  }
0x1d9: {  	v11 =	vmul.f32 v12, v11;
	v12 =	vadd.f32 v18, v21;
	v19 =	vadd.f32 v23, v53;
	v23 =	vld.idx.msk [tilespmem:v24+s21+$0x0], $0xffff  }
0x1da: {  	v14 =	vadd.f32 v27, v14;
	v22 =	vmul.f32 v22, v26;
	v20 =	vadd.f32 v20, v54  }
0x1db: {  	v9 =	vadd.f32 v11, v9;
	v10 =	vmul.f32 v12, v10;
	v18 =	vmul.f32 v19, v15;
	v19 =	vld.idx.msk [tilespmem:v31+s22+$0x0], $0xffff  }
0x1dc: {  	v13 =	vld.idx.msk [tilespmem:v13+s22+$0x0], $0xffff;
	v14 =	vmul.f32 v14, v17;
	v17 =	vadd.f32 v22, v30;
	v20 =	vmul.f32 v20, v29  }
0x1dd: {  	v8 =	vadd.f32 v10, v8;
	v11 =	vld.idx.msk [tilespmem:v24+s22+$0x0], $0xffff;
	v12 =	vadd.f32 v18, v28  }
0x1de: {  	[tilespmem:s29+$0x8310] =	vst v25;
	v14 =	vadd.f32 v14, v16;
	v16 =	vmul.f32 v17, v26;
	v17 =	vadd.f32 v20, v23  }
0x1df: {  	[tilespmem:s14+$0x8300] =	vst v9;
	v9 =	vmul.f32 v12, v15  }
0x1e0: {  	[tilespmem:s29+$0x8300] =	vst v8;
	v10 =	vadd.f32 v16, v19;
	v12 =	vmul.f32 v17, v29  }
0x1e1: {  	[tilespmem:s31+$0x8310] =	vst v14;
	v8 =	vadd.f32 v9, v13  }
0x1e2: {  	[tilespmem:s2+$0x8310] =	vst v10;
	v9 =	vadd.f32 v12, v11  }
0x1e3: {  	[tilespmem:s31+$0x8300] =	vst v8  }
0x1e4: {  	s0 =	sadd.s32 s3, s6;
	p0 =	seq.s32 s7, $0xF;
	[tilespmem:s2+$0x8300] =	vst v9  }
0x1e5: {  	[hbm4b:s0+s15] =	stream.strided.scatter [tilespmem:s23], [sflag:$0x7], $0x4000, s16, s15, $0x38;
	[tilespmem:$0x10280] =	vst v63  }
0x1e6: {  	s0 =	simm.s32 @!p0 $0x5  }
0x1e7: {  	_ =	swait.ge @!p0 [sflag:s0], $0x4000  }
0x1e8: {  	s1 =	simm.s32 @!p0 $0x100;
	s4 =	simm.s32 @!p0 $0x280;
	[sflag:s0] =	ssyncset.done @!p0 $0x0  }
0x1e9: {  	s2 =	simm.s32 @!p0 $0x400;
	[sflag:s0] =	ssyncadd.s32 @!p0 $0xFFFFC000;
	s0 =	sadd.s32 @!p0 s8, s11  }
0x1ea: {  	[tilespmem:s4], [sflag:$0x1] =	stream.strided.gather @!p0 [hbm4b:s0+s1], $0x4000, s2, s1, $0x38;
	[tilespmem:$0x10280] =	vst v63  }
0x1eb: {  	s14 =	simm.s32 $0x0;
	_ =	swait.ge [sflag:s28], $0x4000  }
0x1ec: {  	s17 =	sand.u32 $0x60, s14;
	s0 =	sand.u32 $0x3F00, s14;
	[sflag:s28] =	ssyncset.done $0x0  }
0x1ed: {  	s6 =	sor.u32 s17, s0;
	[sflag:s28] =	ssyncadd.s32 $0xFFFFC000  }
0x1ee: {  	v8 =	vld [tilespmem:s6+$0xC290];
	_ =	sdelay $0x4  }
0x1ef: {  	v8 =	vmax.f32 v8, $-5.000000000e+00  }
0x1f0: {  	v8 =	vmin.f32 v8, $5.000000000e+00  }
0x1f1: {  	v8 =	vadd.f32 $5.000000000e+00, v8  }
0x1f2: {  	v9 =	vld [tilespmem:s6+$0xC280]  }
0x1f3: {  	v8 =	vmul.f32 $1.899999980e+00, v8;
	_ =	sdelay $0x1  }
0x1f4: {  	v10 =	vtrunc.f32 v8  }
0x1f5: {  	s31 =	simm.s32 $0x40;
	s2 =	simm.s32 $0x20;
	v10 =	vcvt.f32.s32 v10  }
0x1f6: {  	s1 =	sand.u32 $0x60, s2;
	s0 =	sand.u32 $0x3F00, s31;
	v9 =	vmax.f32 v9, $-5.000000000e+00  }
0x1f7: {  	s14 =	sor.u32 s1, s0;
	v9 =	vmin.f32 v9, $5.000000000e+00  }
0x1f8: {  	v13 =	vld [tilespmem:s14+$0xC290];
	v9 =	vadd.f32 $5.000000000e+00, v9;
	_ =	sdelay $0x1  }
0x1f9: {  	v9 =	vmul.f32 $1.899999980e+00, v9  }
0x1fa: {  	v12 =	vld.idx.msk [tilespmem:v10+s20+$0x0], $0xffff  }
0x1fb: {  	v15 =	vtrunc.f32 v9;
	v14 =	vcvt.s32.f32 v10  }
0x1fc: {  	v13 =	vmax.f32 v13, $-5.000000000e+00;
	v15 =	vcvt.f32.s32 v15;
	v16 =	vld.idx.msk [tilespmem:v10+s15+$0x0], $0xffff  }
0x1fd: {  	v11 =	vld [tilespmem:s6+$0xC310];
	v13 =	vmin.f32 v13, $5.000000000e+00;
	v8 =	vsub.f32 v8, v14  }
0x1fe: {  	v13 =	vadd.f32 $5.000000000e+00, v13  }
0x1ff: {  	v14 =	vld [tilespmem:s14+$0xC280];
	v12 =	vmul.f32 v8, v12  }
0x200: {  	v13 =	vmul.f32 $1.899999980e+00, v13;
	v17 =	vld.idx.msk [tilespmem:v10+s21+$0x0], $0xffff  }
0x201: {  	v12 =	vadd.f32 v12, v16  }
0x202: {  	v11 =	vmax.f32 v11, $-5.000000000e+00;
	v20 =	vtrunc.f32 v13;
	v19 =	vld.idx.msk [tilespmem:v15+s20+$0x0], $0xffff  }
0x203: {  	v11 =	vmin.f32 v11, $5.000000000e+00;
	v18 =	vcvt.s32.f32 v15;
	v16 =	vld [tilespmem:s6+$0xC300];
	v12 =	vmul.f32 v12, v8  }
0x204: {  	v11 =	vadd.f32 $5.000000000e+00, v11;
	v20 =	vcvt.f32.s32 v20;
	v10 =	vld.idx.msk [tilespmem:v10+s22+$0x0], $0xffff;
	v14 =	vmax.f32 v14, $-5.000000000e+00  }
0x205: {  	s12 =	simm.s32 $0x40;
	s4 =	simm.s32 $0x80;
	v9 =	vsub.f32 v9, v18;
	v18 =	vld.idx.msk [tilespmem:v15+s15+$0x0], $0xffff;
	v14 =	vmin.f32 v14, $5.000000000e+00;
	v12 =	vadd.f32 v12, v17  }
0x206: {  	s1 =	sand.u32 $0x60, s12;
	s0 =	sand.u32 $0x3F00, s4;
	v14 =	vadd.f32 $5.000000000e+00, v14  }
0x207: {  	s29 =	sor.u32 s1, s0;
	v21 =	vld [tilespmem:s14+$0xC300];
	v11 =	vmul.f32 $1.899999980e+00, v11;
	v8 =	vmul.f32 v12, v8  }
0x208: {  	v22 =	vld [tilespmem:s29+$0xC290];
	v19 =	vmul.f32 v9, v19;
	v14 =	vmul.f32 $1.899999980e+00, v14;
	v12 =	vmax.f32 v16, $-5.000000000e+00  }
0x209: {  	v17 =	vtrunc.f32 v11;
	v16 =	vld.idx.msk [tilespmem:v15+s21+$0x0], $0xffff;
	v12 =	vmin.f32 v12, $5.000000000e+00;
	v8 =	vadd.f32 v8, v10  }
0x20a: {  	v23 =	vld.idx.msk [tilespmem:v20+s20+$0x0], $0xffff;
	v17 =	vcvt.f32.s32 v17;
	v10 =	vadd.f32 $5.000000000e+00, v12;
	v12 =	vadd.f32 v19, v18  }
0x20b: {  	v55 =	vld [tilespmem:s29+$0xC300];
	v25 =	vcvt.s32.f32 v20;
	v18 =	vtrunc.f32 v14  }
0x20c: {  	s17 =	simm.s32 $0xC0;
	s31 =	simm.s32 $0x60;
	v26 =	vld.idx.msk [tilespmem:v20+s15+$0x0], $0xffff;
	[tilespmem:s6+$0xC290] =	vst v8;
	v10 =	vmul.f32 $1.899999980e+00, v10;
	v8 =	vmax.f32 v21, $-5.000000000e+00;
	v12 =	vmul.f32 v12, v9  }
0x20d: {  	s1 =	sand.u32 $0x60, s31;
	s0 =	sand.u32 $0x3F00, s17;
	v13 =	vsub.f32 v13, v25;
	v15 =	vld.idx.msk [tilespmem:v15+s22+$0x0], $0xffff;
	v18 =	vcvt.f32.s32 v18;
	v8 =	vmin.f32 v8, $5.000000000e+00  }
0x20e: {  	s2 =	sor.u32 s1, s0;
	v19 =	vld [tilespmem:s14+$0xC310];
	v24 =	vtrunc.f32 v10;
	v8 =	vadd.f32 $5.000000000e+00, v8;
	v12 =	vadd.f32 v12, v16  }
0x20f: {  	v59 =	vld [tilespmem:s2+$0xC280];
	v23 =	vmul.f32 v13, v23;
	v24 =	vcvt.f32.s32 v24  }
0x210: {  	v21 =	vld.idx.msk [tilespmem:v17+s20+$0x0], $0xffff;
	v27 =	vmul.f32 $1.899999980e+00, v8;
	v8 =	vmul.f32 v12, v9  }
0x211: {  	v23 =	vadd.f32 v23, v26;
	v9 =	vld [tilespmem:s29+$0xC280];
	v12 =	vcvt.s32.f32 v18  }
0x212: {  	v16 =	vld.idx.msk [tilespmem:v17+s15+$0x0], $0xffff;
	v28 =	vcvt.s32.f32 v24;
	v15 =	vadd.f32 v8, v15;
	v8 =	vcvt.s32.f32 v17  }
0x213: {  	v29 =	vld.idx.msk [tilespmem:v18+s20+$0x0], $0xffff;
	v25 =	vtrunc.f32 v27;
	v14 =	vsub.f32 v14, v12;
	v12 =	vmax.f32 v19, $-5.000000000e+00  }
0x214: {  	v19 =	vld.idx.msk [tilespmem:v20+s21+$0x0], $0xffff;
	v31 =	vsub.f32 v11, v8;
	v8 =	vmax.f32 v22, $-5.000000000e+00;
	v11 =	vmin.f32 v12, $5.000000000e+00  }
0x215: {  	v30 =	vld.idx.msk [tilespmem:v17+s21+$0x0], $0xffff;
	v22 =	vmin.f32 v8, $5.000000000e+00;
	v11 =	vadd.f32 $5.000000000e+00, v11;
	v8 =	vcvt.f32.s32 v25  }
0x216: {  	v12 =	vld.idx.msk [tilespmem:v18+s15+$0x0], $0xffff;
	v9 =	vmax.f32 v9, $-5.000000000e+00;
	v21 =	vmul.f32 v31, v21;
	v22 =	vadd.f32 $5.000000000e+00, v22  }
0x217: {  	v9 =	vmin.f32 v9, $5.000000000e+00;
	v25 =	vmul.f32 $1.899999980e+00, v11;
	v11 =	vld.idx.msk [tilespmem:v20+s22+$0x0], $0xffff;
	v20 =	vmul.f32 v23, v13  }
0x218: {  	v17 =	vld.idx.msk [tilespmem:v17+s22+$0x0], $0xffff;
	[tilespmem:s6+$0xC280] =	vst v15;
	v9 =	vadd.f32 $5.000000000e+00, v9;
	v16 =	vadd.f32 v21, v16;
	v21 =	vmul.f32 $1.899999980e+00, v22  }
0x219: {  	v26 =	vld.idx.msk [tilespmem:v24+s20+$0x0], $0xffff;
	v15 =	vmul.f32 v14, v29;
	v19 =	vadd.f32 v20, v19;
	v20 =	vtrunc.f32 v25  }
0x21a: {  	v29 =	vmax.f32 v55, $-5.000000000e+00;
	v22 =	vld.idx.msk [tilespmem:v18+s21+$0x0], $0xffff;
	v56 =	vmul.f32 $1.899999980e+00, v9;
	v23 =	vtrunc.f32 v21  }
0x21b: {  	v15 =	vadd.f32 v15, v12;
	v12 =	vld.idx.msk [tilespmem:v24+s21+$0x0], $0xffff;
	v20 =	vcvt.f32.s32 v20;
	v13 =	vmul.f32 v19, v13  }
0x21c: {  	v29 =	vmin.f32 v29, $5.000000000e+00;
	v9 =	vld.idx.msk [tilespmem:v24+s22+$0x0], $0xffff;
	v16 =	vmul.f32 v16, v31;
	v23 =	vcvt.f32.s32 v23  }
0x21d: {  	v19 =	vld.idx.msk [tilespmem:v24+s15+$0x0], $0xffff;
	v15 =	vmul.f32 v15, v14;
	v24 =	vadd.f32 $5.000000000e+00, v29;
	v11 =	vadd.f32 v13, v11  }
0x21e: {  	v18 =	vld.idx.msk [tilespmem:v18+s22+$0x0], $0xffff;
	v13 =	vadd.f32 v16, v30;
	v16 =	vtrunc.f32 v56;
	v30 =	vcvt.s32.f32 v8  }
0x21f: {  	v15 =	vadd.f32 v15, v22;
	v22 =	vld [tilespmem:s2+$0xC290];
	v24 =	vmul.f32 $1.899999980e+00, v24;
	v57 =	vcvt.s32.f32 v23  }
0x220: {  	v29 =	vld [tilespmem:s29+$0xC310];
	v16 =	vcvt.f32.s32 v16;
	[tilespmem:s14+$0xC290] =	vst v11;
	v13 =	vmul.f32 v13, v31  }
0x221: {  	v11 =	vsub.f32 v10, v28;
	v10 =	vsub.f32 v27, v30;
	v14 =	vmul.f32 v15, v14;
	v28 =	vld.idx.msk [tilespmem:v20+s20+$0x0], $0xffff  }
0x222: {  	v27 =	vcvt.s32.f32 v20;
	v15 =	vld.idx.msk [tilespmem:v23+s20+$0x0], $0xffff;
	v30 =	vadd.f32 v13, v17;
	v17 =	vcvt.s32.f32 v16  }
0x223: {  	v21 =	vsub.f32 v21, v57;
	v31 =	vld.idx.msk [tilespmem:v20+s15+$0x0], $0xffff;
	v26 =	vmul.f32 v11, v26;
	v13 =	vtrunc.f32 v24  }
0x224: {  	v25 =	vsub.f32 v25, v27;
	v27 =	vld.idx.msk [tilespmem:v23+s15+$0x0], $0xffff;
	v58 =	vadd.f32 v14, v18;
	v22 =	vmax.f32 v22, $-5.000000000e+00  }
0x225: {  	v62 =	vld [tilespmem:s2+$0xC300];
	v13 =	vcvt.f32.s32 v13;
	v14 =	vsub.f32 v56, v17;
	v22 =	vmin.f32 v22, $5.000000000e+00  }
0x226: {  	v17 =	vadd.f32 v26, v19;
	v19 =	vld.idx.msk [tilespmem:v16+s20+$0x0], $0xffff;
	v22 =	vadd.f32 $5.000000000e+00, v22;
	v18 =	vmul.f32 v25, v28  }
0x227: {  	v26 =	vcvt.s32.f32 v13;
	v28 =	vmax.f32 v29, $-5.000000000e+00;
	v29 =	vld.idx.msk [tilespmem:v20+s21+$0x0], $0xffff;
	v15 =	vmul.f32 v21, v15  }
0x228: {  	v60 =	vld.idx.msk [tilespmem:v23+s21+$0x0], $0xffff;
	v22 =	vmul.f32 $1.899999980e+00, v22;
	v31 =	vadd.f32 v18, v31;
	v18 =	vmin.f32 v28, $5.000000000e+00  }
0x229: {  	v61 =	vld.idx.msk [tilespmem:v16+s15+$0x0], $0xffff;
	v28 =	vadd.f32 v15, v27;
	v27 =	vadd.f32 $5.000000000e+00, v18;
	v18 =	vmul.f32 v17, v11  }
0x22a: {  	v63 =	vld.idx.msk [tilespmem:v20+s22+$0x0], $0xffff;
	v15 =	vsub.f32 v24, v26;
	v24 =	vmax.f32 v59, $-5.000000000e+00;
	v20 =	vmul.f32 v31, v25  }
0x22b: {  	v24 =	vmin.f32 v24, $5.000000000e+00;
	v17 =	vmul.f32 $1.899999980e+00, v27;
	v27 =	vld.idx.msk [tilespmem:v23+s22+$0x0], $0xffff;
	v23 =	vmul.f32 v28, v21  }
0x22c: {  	v26 =	vld.idx.msk [tilespmem:v16+s21+$0x0], $0xffff;
	v19 =	vmul.f32 v14, v19;
	v28 =	vadd.f32 $5.000000000e+00, v24;
	v20 =	vadd.f32 v20, v29  }
0x22d: {  	[tilespmem:s14+$0xC280] =	vst v58;
	v24 =	vld.idx.msk [tilespmem:v16+s22+$0x0], $0xffff;
	v29 =	vtrunc.f32 v22;
	v32 =	vadd.f32 v23, v60;
	v16 =	vtrunc.f32 v17  }
0x22e: {  	v33 =	vadd.f32 v19, v61;
	v19 =	vld.idx.msk [tilespmem:v8+s15+$0x0], $0xffff;
	v16 =	vcvt.f32.s32 v16;
	v25 =	vmul.f32 v20, v25  }
0x22f: {  	v31 =	vmax.f32 v62, $-5.000000000e+00;
	v23 =	vld.idx.msk [tilespmem:v8+s20+$0x0], $0xffff;
	v20 =	vcvt.f32.s32 v29;
	v29 =	vmul.f32 v32, v21  }
0x230: {  	s4 =	simm.s32 $0x6;
	s17 =	simm.s32 $0x80;
	s0 =	simm.s32 $0x100;
	[tilespmem:s6+$0xC310] =	vst v30;
	v28 =	vmul.f32 $1.899999980e+00, v28;
	v30 =	vmul.f32 v33, v14;
	v21 =	vld.idx.msk [tilespmem:v8+s21+$0x0], $0xffff;
	v25 =	vadd.f32 v25, v63  }
.LBB2_9:
0x231: {  	s1 =	sand.u32 $0x60, s17;
	s12 =	sand.u32 $0x3F00, s0;
	v31 =	vmin.f32 v31, $5.000000000e+00;
	v27 =	vadd.f32 v29, v27;
	v29 =	vld.idx.msk [tilespmem:v8+s22+$0x0], $0xffff;
	v12 =	vadd.f32 v18, v12;
	v8 =	vmovc v13  }
0x232: {  	s1 =	sor.u32 s1, s12;
	v13 =	vtrunc.f32 v28;
	v18 =	vadd.f32 $5.000000000e+00, v31;
	v31 =	vld [tilespmem:s2+$0xC310];
	v26 =	vadd.f32 v30, v26;
	[tilespmem:s14+$0xC310] =	vst v25  }
0x233: {  	v25 =	vld [tilespmem:s1+$0xC290];
	v30 =	vcvt.f32.s32 v13;
	[tilespmem:s29+$0xC290] =	vst v27;
	v34 =	vmul.f32 v12, v11;
	v11 =	vmovc v10;
	v10 =	vmov v15  }
0x234: {  	v15 =	vmul.f32 $1.899999980e+00, v18;
	v13 =	vmul.f32 v26, v14;
	v18 =	vld.idx.msk [tilespmem:v16+s20+$0x0], $0xffff  }
0x235: {  	s4 =	sadd.s32 $0x2, s4;
	v23 =	vmul.f32 v11, v23;
	v14 =	vcvt.s32.f32 v30;
	v26 =	vld.idx.msk [tilespmem:v20+s20+$0x0], $0xffff;
	v34 =	vadd.f32 v34, v9  }
0x236: {  	v32 =	vcvt.s32.f32 v16;
	p1 =	slt.u32 s4, $0x1FE;
	v12 =	vmovc v21;
	v27 =	vtrunc.f32 v15;
	v24 =	vadd.f32 v13, v24;
	v33 =	vld.idx.msk [tilespmem:v16+s15+$0x0], $0xffff  }
0x237: {  	v21 =	vcvt.s32.f32 v20;
	v9 =	vmovc v29;
	v14 =	vsub.f32 v28, v14;
	v13 =	vcvt.f32.s32 v27;
	v27 =	vld.idx.msk [tilespmem:v20+s15+$0x0], $0xffff;
	[tilespmem:s6+$0xC300] =	vst v34;
	s6 =	smov.u32 s14;
	s14 =	smov.u32 s29;
	s29 =	smov.u32 s2  }
0x238: {  	v29 =	vsub.f32 v17, v32;
	v17 =	vadd.f32 v23, v19;
	s2 =	smov.u32 s1;
	v28 =	vld [tilespmem:s1+$0xC280];
	[tilespmem:s14+$0xC280] =	vst v24  }
0x239: {  	v21 =	vsub.f32 v22, v21;
	v19 =	vld.idx.msk [tilespmem:v30+s20+$0x0], $0xffff;
	v23 =	vcvt.s32.f32 v13  }
0x23a: {  	v22 =	vmax.f32 v31, $-5.000000000e+00;
	v31 =	vmul.f32 v29, v18;
	v18 =	vmul.f32 v17, v11;
	v24 =	vld.idx.msk [tilespmem:v16+s21+$0x0], $0xffff  }
0x23b: {  	v22 =	vmin.f32 v22, $5.000000000e+00;
	v17 =	vmax.f32 v25, $-5.000000000e+00;
	v26 =	vmul.f32 v21, v26;
	v25 =	vld.idx.msk [tilespmem:v20+s21+$0x0], $0xffff  }
0x23c: {  	v22 =	vadd.f32 $5.000000000e+00, v22;
	v17 =	vmin.f32 v17, $5.000000000e+00;
	v31 =	vadd.f32 v31, v33;
	v32 =	vld.idx.msk [tilespmem:v30+s15+$0x0], $0xffff  }
0x23d: {  	v34 =	vadd.f32 $5.000000000e+00, v17;
	v26 =	vadd.f32 v26, v27;
	v28 =	vmax.f32 v28, $-5.000000000e+00;
	v33 =	vld [tilespmem:s2+$0xC300]  }
0x23e: {  	v17 =	vmul.f32 $1.899999980e+00, v22;
	v27 =	vmin.f32 v28, $5.000000000e+00;
	v35 =	vld.idx.msk [tilespmem:v16+s22+$0x0], $0xffff;
	v16 =	vmul.f32 v31, v29  }
0x23f: {  	v22 =	vmul.f32 $1.899999980e+00, v34;
	v28 =	vadd.f32 $5.000000000e+00, v27;
	v27 =	vld.idx.msk [tilespmem:v20+s22+$0x0], $0xffff;
	v20 =	vmul.f32 v26, v21  }
.Ltmp5:
0x240: {  	v15 =	vsub.f32 v15, v23;
	v19 =	vmul.f32 v14, v19;
	v26 =	vld.idx.msk [tilespmem:v30+s21+$0x0], $0xffff;
	v31 =	vadd.f32 v16, v24;
	(pc) =	sbr.rel @p1 .LBB2_9-.Ltmp5, $4  }
0x241: {  	v34 =	vtrunc.f32 v22;
	v16 =	vtrunc.f32 v17;
	v24 =	vld.idx.msk [tilespmem:v30+s22+$0x0], $0xffff;
	v25 =	vadd.f32 v20, v25  }
0x242: {  	v30 =	vadd.f32 v19, v32;
	v16 =	vcvt.f32.s32 v16;
	v23 =	vld.idx.msk [tilespmem:v8+s20+$0x0], $0xffff;
	v32 =	vmul.f32 v31, v29  }
0x243: {  	v20 =	vcvt.f32.s32 v34;
	v31 =	vmax.f32 v33, $-5.000000000e+00;
	v29 =	vmul.f32 v25, v21;
	v19 =	vld.idx.msk [tilespmem:v8+s15+$0x0], $0xffff  }
0x244: {  	s0 =	sadd.s32 $0x40, s0;
	s17 =	sadd.s32 $0x20, s17;
	v28 =	vmul.f32 $1.899999980e+00, v28;
	v30 =	vmul.f32 v30, v14;
	v21 =	vld.idx.msk [tilespmem:v8+s21+$0x0], $0xffff;
	v25 =	vadd.f32 v32, v35  }
0x245: {  	_ = 	snop  }
0x246: {  	v32 =	vtrunc.f32 v28  }
0x247: {  	v32 =	vcvt.f32.s32 v32;
	_ =	sdelay $0x3  }
0x248: {  	v33 =	vld [tilespmem:s2+$0xC310]  }
0x249: {  	v34 =	vld.idx.msk [tilespmem:v20+s20+$0x0], $0xffff  }
0x24a: {  	v35 =	vcvt.s32.f32 v20;
	v37 =	vld.idx.msk [tilespmem:v32+s20+$0x0], $0xffff  }
0x24b: {  	v36 =	vld.idx.msk [tilespmem:v20+s15+$0x0], $0xffff;
	v38 =	vcvt.s32.f32 v32  }
0x24c: {  	v22 =	vsub.f32 v22, v35;
	v44 =	vld.idx.msk [tilespmem:v32+s15+$0x0], $0xffff  }
0x24d: {  	v45 =	vsub.f32 v28, v38  }
0x24e: {  	v33 =	vmax.f32 v33, $-5.000000000e+00;
	v34 =	vmul.f32 v22, v34  }
0x24f: {  	v46 =	vld.idx.msk [tilespmem:v20+s21+$0x0], $0xffff;
	v33 =	vmin.f32 v33, $5.000000000e+00;
	v47 =	vmul.f32 v45, v37  }
0x250: {  	v31 =	vmin.f32 v31, $5.000000000e+00;
	v33 =	vadd.f32 $5.000000000e+00, v33;
	v34 =	vadd.f32 v34, v36;
	v48 =	vld.idx.msk [tilespmem:v32+s21+$0x0], $0xffff  }
0x251: {  	v31 =	vadd.f32 $5.000000000e+00, v31;
	v35 =	vadd.f32 v47, v44  }
0x252: {  	v26 =	vadd.f32 v30, v26;
	v33 =	vmul.f32 $1.899999980e+00, v33;
	v34 =	vmul.f32 v34, v22  }
0x253: {  	v27 =	vadd.f32 v29, v27;
	v50 =	vld.idx.msk [tilespmem:v20+s22+$0x0], $0xffff;
	v49 =	vmul.f32 $1.899999980e+00, v31;
	v53 =	vmul.f32 v35, v45  }
0x254: {  	v14 =	vmul.f32 v26, v14;
	v54 =	vld.idx.msk [tilespmem:v32+s22+$0x0], $0xffff;
	v51 =	vadd.f32 v34, v46;
	v52 =	vtrunc.f32 v33  }
0x255: {  	v55 =	vtrunc.f32 v49;
	v31 =	vcvt.f32.s32 v52;
	v56 =	vadd.f32 v53, v48  }
0x256: {  	v8 =	vld.idx.msk [tilespmem:v8+s22+$0x0], $0xffff;
	[tilespmem:s29+$0xC290] =	vst v27;
	v14 =	vadd.f32 v14, v24;
	v58 =	vcvt.f32.s32 v55;
	v22 =	vmul.f32 v51, v22  }
0x257: {  	v57 =	vld.idx.msk [tilespmem:v16+s20+$0x0], $0xffff;
	v60 =	vmul.f32 v56, v45  }
0x258: {  	v59 =	vld.idx.msk [tilespmem:v16+s15+$0x0], $0xffff;
	[tilespmem:s29+$0xC280] =	vst v14;
	v20 =	vadd.f32 v22, v50  }
0x259: {  	v63 =	vld.idx.msk [tilespmem:v13+s20+$0x0], $0xffff;
	v36 =	vadd.f32 v60, v54  }
0x25a: {  	v62 =	vcvt.s32.f32 v16;
	v41 =	vld.idx.msk [tilespmem:v13+s15+$0x0], $0xffff;
	[tilespmem:s2+$0xC290] =	vst v20  }
0x25b: {  	v37 =	vld.idx.msk [tilespmem:v31+s20+$0x0], $0xffff;
	[tilespmem:s2+$0xC280] =	vst v36  }
0x25c: {  	v17 =	vsub.f32 v17, v62;
	v38 =	vcvt.s32.f32 v31;
	v20 =	vld.idx.msk [tilespmem:v58+s20+$0x0], $0xffff  }
0x25d: {  	v23 =	vmul.f32 v10, v23;
	v40 =	vcvt.s32.f32 v58;
	v39 =	vld.idx.msk [tilespmem:v31+s15+$0x0], $0xffff  }
0x25e: {  	v32 =	vmul.f32 v17, v57;
	v26 =	vsub.f32 v33, v38;
	v42 =	vld.idx.msk [tilespmem:v58+s15+$0x0], $0xffff  }
0x25f: {  	v61 =	vld.idx.msk [tilespmem:v16+s21+$0x0], $0xffff;
	v19 =	vadd.f32 v23, v19;
	v29 =	vsub.f32 v49, v40;
	v44 =	vmul.f32 v15, v63  }
0x260: {  	v27 =	vadd.f32 v32, v59;
	v46 =	vld.idx.msk [tilespmem:v13+s21+$0x0], $0xffff;
	v22 =	vmul.f32 v26, v37  }
0x261: {  	v47 =	vmul.f32 v19, v10;
	v48 =	vadd.f32 v44, v41;
	v45 =	vld.idx.msk [tilespmem:v31+s21+$0x0], $0xffff;
	v20 =	vmul.f32 v29, v20  }
0x262: {  	v12 =	vadd.f32 v18, v12;
	v27 =	vmul.f32 v27, v17;
	v22 =	vadd.f32 v22, v39;
	v49 =	vld.idx.msk [tilespmem:v58+s21+$0x0], $0xffff  }
0x263: {  	v43 =	vld.idx.msk [tilespmem:v16+s22+$0x0], $0xffff;
	v50 =	vadd.f32 v47, v21;
	v51 =	vmul.f32 v48, v15;
	v20 =	vadd.f32 v20, v42  }
0x264: {  	v11 =	vmul.f32 v12, v11;
	v14 =	vadd.f32 v27, v61;
	v53 =	vld.idx.msk [tilespmem:v13+s22+$0x0], $0xffff;
	v22 =	vmul.f32 v22, v26  }
0x265: {  	v52 =	vld.idx.msk [tilespmem:v31+s22+$0x0], $0xffff;
	v55 =	vmul.f32 v50, v10;
	v57 =	vadd.f32 v51, v46;
	v20 =	vmul.f32 v20, v29  }
0x266: {  	v9 =	vadd.f32 v11, v9;
	v14 =	vmul.f32 v14, v17;
	v56 =	vld.idx.msk [tilespmem:v58+s22+$0x0], $0xffff;
	v54 =	vadd.f32 v22, v45  }
0x267: {  	[tilespmem:s14+$0xC310] =	vst v25;
	v8 =	vadd.f32 v55, v8;
	v60 =	vmul.f32 v57, v15;
	v59 =	vadd.f32 v20, v49  }
0x268: {  	[tilespmem:s6+$0xC300] =	vst v9;
	v14 =	vadd.f32 v14, v43;
	v58 =	vmul.f32 v54, v26  }
0x269: {  	[tilespmem:s14+$0xC300] =	vst v8;
	v8 =	vadd.f32 v60, v53;
	v62 =	vmul.f32 v59, v29  }
.Ltmp6:
0x26a: {  	[tilespmem:s29+$0xC310] =	vst v14;
	v61 =	vadd.f32 v58, v52;
	(pc) =	sbr.rel @p0 .LBB2_12-.Ltmp6, $4  }
0x26b: {  	[tilespmem:s29+$0xC300] =	vst v8;
	v63 =	vadd.f32 v62, v56  }
0x26c: {  	[tilespmem:s2+$0xC310] =	vst v61  }
0x26d: {  	s0 =	sadd.s32 s3, s13;
	[tilespmem:s2+$0xC300] =	vst v63  }
0x26e: {  	[hbm4b:s0+s15] =	stream.strided.scatter [tilespmem:s25], [sflag:$0x8], $0x4000, s16, s15, $0x38;
	[tilespmem:$0x10280] =	vst v63  }
.Ltmp7:
0x26f: {  	(pc) =	sbr.rel .LBB2_2-.Ltmp7, $4  }
0x270: {  	_ =	swait.ge [sflag:s30], $0x4000  }
0x271: {  	[sflag:s30] =	ssyncset.done $0x0;
	s0 =	rddreg [dreg:$0x8]  }
0x272: {  	s7 =	sadd.s32 $0x1, s7;
	[sflag:s30] =	ssyncadd.s32 $0xFFFFC000;
	s0 =	sadd.s32 s8, s0  }
0x273: {  	[tilespmem:s18], [sflag:$0x2] =	stream.strided.gather [hbm4b:s0+s15], $0x4000, s16, s15, $0x38;
	[tilespmem:$0x10280] =	vst v63  }
.LBB2_13:
0x274: {  	_ =	sfence.sel $0x180000  }
0x275: {  	[bflag:$0x0] =	sbarrier.arrive $0xFFFF  }
0x276: {  	_ =	strace $0x90000047  }
0x277: {  	s0 =	stileid.u32;
	[bflag:$0x2] =	sbarrier.arrive $0xFFFF  }
0x278: {  	p0 =	sne.s32 s0, $0x0;
	s0 =	rddreg [dreg:$0x3]  }
0x279: {  	s0 =	sadd.s32 @!p0 $0x100000, s0  }
0x27a: {  	[sflag:s0] =	ssyncadd.tile.s32 @!p0 $0x1;
	_ =	shalt  }
.Lfunc_end2:
_tile_overlayer_lowered:
.L_overlay_start_2:
0x27b: {  	(tag) =	ssettag $0x2  }
0x27c: {  	s0 =	rddreg [dreg:$0x0];
	s2 =	stileid.u32  }
0x27d: {  	s1 =	rddreg [dreg:$0x1];
	p0 =	sne.s32 s2, $0x0  }
0x27e: {  	s3 =	rddreg [dreg:$0x2];
	[bflag:$0x3] =	sbarrier.arrive $0xFFFF;
	s2 =	simm.s32 @!p0 $0x1C09  }
0x27f: {  	[timem:s3], [sflag:s2] =	dma.local @!p0 [hbm:s0], s1  }
0x280: {  	s0 =	simm.s32 @!p0 $0x9  }
0x281: {  	_ =	swait.ge @!p0 [sflag:s0], s1  }
0x282: {  	s1 =	ssub.s32 @!p0 $0x0, s1;
	[sflag:s0] =	ssyncset.done @!p0 $0x0  }
0x283: {  	[sflag:s0] =	ssyncadd.s32 @!p0 s1  }
0x284: {  	[bflag:$0x3] =	sbarrier.arrive $0xFFFF  }
0x285: {  	_ =	shalt  }

</sc_bundles>
